<compile_context>
chip_gen: v7x
topology: tpu7x:2x2x1
jax: 0.10.2.dev20260603
libtpu: 0.0.44.dev20260713+nightly
codegen_flags: <defaults>
</compile_context>

<pallas_src>
import jax
import jax.numpy as jnp
from jax import lax
from jax.experimental import pallas as pl
from jax.experimental.pallas import tpu as pltpu
from jax.experimental.pallas import tpu_sc as plsc

_B, _N, _E = 2, 100000, 3200000
_NPAD = 102400
_WN = 10240
_WE = 128000

_NC, _NS = 2, 16
_NW = _NC * _NS
_K = 5120
_M = _E // _K
_SLICE = _NPAD // _NS
_NSEG = _NC * _B



def _prep_kernel(v, th, ei, a0, a1, b0, b1, srco, dsto):
    i = pl.program_id(0)

    @pl.when(i == 0)
    def _trig():
        vv = v[...]
        tt = th[...]
        ca = vv * jnp.cos(tt)
        sa = vv * jnp.sin(tt)
        a0[...] = ca[0]
        a1[...] = ca[1]
        b0[...] = sa[0]
        b1[...] = sa[1]

    srco[...] = ei[0]
    dsto[...] = ei[1]


def _run_prep(vpad, apad, edge_index):
    outf = jax.ShapeDtypeStruct((_NPAD,), jnp.float32)
    outi = jax.ShapeDtypeStruct((_E,), jnp.int32)
    spec_v = pl.BlockSpec((_B, _NPAD), lambda i: (0, 0))
    spec_f = pl.BlockSpec((_NPAD,), lambda i: (0,))
    spec_ei = pl.BlockSpec((2, _WE), lambda i: (0, i))
    spec_o = pl.BlockSpec((_WE,), lambda i: (i,))
    return pl.pallas_call(
        _prep_kernel,
        grid=(_E // _WE,),
        in_specs=[spec_v, spec_v, spec_ei],
        out_specs=[spec_f] * 4 + [spec_o, spec_o],
        out_shape=[outf, outf, outf, outf, outi, outi],
    )(vpad, apad, edge_index)


def _sc_flow_body(a0, a1, b0, b1, src, dst, g, su,
                  pout, qout,
                  ta0, ta1, tb0, tb1, ap0, ap1, aq0, aq1,
                  srcv, dstv, gv2, aiv, ajv, biv, bjv,
                  pv, npv, qv, nqv, zv, semg, semsc):
    c = lax.axis_index("c")
    s = lax.axis_index("s")
    wid = c * _NS + s
    sl = pl.ds(s * _SLICE, _SLICE)

    def zero16(r, _):
        zv[pl.ds(r * 16, 16)] = jnp.zeros((16,), jnp.float32)
        return _
    lax.fori_loop(0, _SLICE // 16, zero16, None)
    for acc in (ap0, ap1, aq0, aq1):
        pltpu.sync_copy(zv, acc.at[sl])
    for hbm, tab in ((a0, ta0), (a1, ta1), (b0, tb0), (b1, tb1)):
        pltpu.sync_copy(hbm.at[sl], tab.at[sl])
    plsc.subcore_barrier()

    def chunk(t, carry):
        e0 = (wid + t * _NW) * _K
        ds_e = pl.ds(e0, _K)
        pltpu.sync_copy(src.at[ds_e], srcv)
        pltpu.sync_copy(dst.at[ds_e], dstv)
        pltpu.sync_copy(g.at[:, ds_e], gv2.at[0])
        pltpu.sync_copy(su.at[:, ds_e], gv2.at[1])
        scat = []
        for b, (ta, tb, ap, aq) in enumerate(
                ((ta0, tb0, ap0, aq0), (ta1, tb1, ap1, aq1))):
            gath = [pltpu.async_copy(ta.at[srcv], aiv, semg),
                    pltpu.async_copy(ta.at[dstv], ajv, semg),
                    pltpu.async_copy(tb.at[srcv], biv, semg),
                    pltpu.async_copy(tb.at[dstv], bjv, semg)]
            for cp in gath:
                cp.wait()
            for cp in scat:
                cp.wait()
            scat = []

            def vec(r, carry2):
                d16 = pl.ds(r * 16, 16)
                ai_, aj_ = aiv[d16], ajv[d16]
                bi2, bj2 = biv[d16], bjv[d16]
                cc = ai_ * aj_ + bi2 * bj2
                ss = bi2 * aj_ - ai_ * bj2
                g_, b_ = gv2[0, b, d16], gv2[1, b, d16]
                p_ = g_ * cc + b_ * ss
                q_ = g_ * ss - b_ * cc
                pv[d16] = p_
                npv[d16] = -p_
                qv[d16] = q_
                nqv[d16] = -q_
                return carry2
            lax.fori_loop(0, _K // 16, vec, None)
            scat = [pltpu.async_copy(pv, ap.at[srcv], semsc, add=True),
                    pltpu.async_copy(npv, ap.at[dstv], semsc, add=True),
                    pltpu.async_copy(qv, aq.at[srcv], semsc, add=True),
                    pltpu.async_copy(nqv, aq.at[dstv], semsc, add=True)]
        for cp in scat:
            cp.wait()
        return carry
    nchunks = (_M - wid + _NW - 1) // _NW
    lax.fori_loop(0, nchunks, chunk, None)

    plsc.subcore_barrier()
    pltpu.sync_copy(ap0.at[sl], pout.at[c, 0, sl])
    pltpu.sync_copy(ap1.at[sl], pout.at[c, 1, sl])
    pltpu.sync_copy(aq0.at[sl], qout.at[c, 0, sl])
    pltpu.sync_copy(aq1.at[sl], qout.at[c, 1, sl])


def _run_sc_flow(a0, a1, b0, b1, srcx, dstx, conductance, susceptance):
    mesh = plsc.VectorSubcoreMesh(core_axis_name="c", subcore_axis_name="s",
                                  num_cores=_NC, num_subcores=_NS)
    f = pl.kernel(
        _sc_flow_body,
        out_type=[jax.ShapeDtypeStruct((_NC, _B, _NPAD), jnp.float32),
                  jax.ShapeDtypeStruct((_NC, _B, _NPAD), jnp.float32)],
        mesh=mesh,
        scratch_types=[pltpu.VMEM_SHARED((_NPAD,), jnp.float32)] * 8
                      + [pltpu.VMEM((_K,), jnp.int32)] * 2
                      + [pltpu.VMEM((2, _B, _K), jnp.float32)]
                      + [pltpu.VMEM((_K,), jnp.float32)] * 8
                      + [pltpu.VMEM((_SLICE,), jnp.float32)]
                      + [pltpu.SemaphoreType.DMA] * 2,
    )
    return f(a0, a1, b0, b1, srcx, dstx, conductance, susceptance)


def _node_loss_kernel(fp, fl, v, tgt, pinj, qinj, freq, pimb, pp, qp, out):
    i = pl.program_id(0)
    col = lax.broadcasted_iota(jnp.int32, (1, _WN), 1) + i * _WN
    m = col < _N

    @pl.when(i == 0)
    def _init():
        for k in range(5):
            out[k] = 0.0
        ef = 60.0 + 6.0 * pimb[...]
        out[5] = jnp.sum((freq[...] - ef) ** 2)

    p = jnp.clip(fp[...], 1e-6, 1.0 - 1e-6)
    bce = -(fl[...] * jnp.log(p) + (1.0 - fl[...]) * jnp.log(1.0 - p))
    out[0] += jnp.sum(jnp.where(m, bce, 0.0))

    p_calc = jnp.sum(pp[...], axis=0)
    out[1] += jnp.sum(jnp.where(m, (p_calc - pinj[...]) ** 2, 0.0))
    q_calc = jnp.sum(qp[...], axis=0)
    out[2] += jnp.sum(jnp.where(m, (q_calc - qinj[...]) ** 2, 0.0))

    vv = v[...]
    low = jnp.maximum(0.95 - vv, 0.0)
    high = jnp.maximum(vv - 1.05, 0.0)
    out[3] += jnp.sum(jnp.where(m, low * low + high * high, 0.0))
    out[4] += jnp.sum(jnp.where(m, (vv - tgt[...]) ** 2, 0.0))


def _run_node_loss(fp, fl, v, tgt, pinj, qinj, freq, pimb, pp, qp):
    spec_n = pl.BlockSpec((_B, _WN), lambda i: (0, i))
    spec_s = pl.BlockSpec((_B, 1), lambda i: (0, 0))
    spec_p = pl.BlockSpec((_NC, _B, _WN), lambda i: (0, 0, i))
    return pl.pallas_call(
        _node_loss_kernel,
        grid=(_NPAD // _WN,),
        in_specs=[spec_n] * 6 + [spec_s, spec_s, spec_p, spec_p],
        out_specs=pl.BlockSpec(memory_space=pltpu.SMEM),
        out_shape=jax.ShapeDtypeStruct((6,), jnp.float32),
    )(fp, fl, v, tgt, pinj, qinj, freq, pimb, pp, qp)


def _edge_loss_kernel(lf, tl, out):
    i = pl.program_id(0)

    @pl.when(i == 0)
    def _init():
        out[0] = 0.0

    viol = jnp.maximum(jnp.abs(lf[...]) - tl[...], 0.0)
    out[0] += jnp.sum(viol * viol)


def _run_edge_loss(lf, tl):
    spec_e = pl.BlockSpec((_B, _WE), lambda i: (0, i))
    return pl.pallas_call(
        _edge_loss_kernel,
        grid=(_E // _WE,),
        in_specs=[spec_e, spec_e],
        out_specs=pl.BlockSpec(memory_space=pltpu.SMEM),
        out_shape=jax.ShapeDtypeStruct((1,), jnp.float32),
    )(lf, tl)


def kernel(failure_probability, failure_label, voltages, angles, line_flows,
           frequency, target_voltages, conductance, susceptance,
           power_injection, thermal_limits, reactive_injection,
           power_imbalance, edge_index):
    v = voltages[..., 0]
    th = angles[..., 0]
    fp = failure_probability[..., 0]
    fl = failure_label[..., 0]
    tgt = target_voltages[..., 0]
    pinj = power_injection[..., 0]
    qinj = reactive_injection[..., 0]
    lf = line_flows[..., 0]

    pad = ((0, 0), (0, _NPAD - _N))
    a0, a1, b0, b1, srcx, dstx = _run_prep(jnp.pad(v, pad), jnp.pad(th, pad),
                                           edge_index)

    pp, qp = _run_sc_flow(a0, a1, b0, b1, srcx, dstx,
                          conductance, susceptance)

    sums = _run_node_loss(fp, fl, v, tgt, pinj, qinj,
                          frequency, power_imbalance, pp, qp)
    cap = _run_edge_loss(lf, thermal_limits)

    bn = float(_B * _N)
    total = (sums[0] / bn
             + 0.1 * (sums[1] / bn)
             + 0.05 * (cap[0] / float(_B * _E))
             + 0.05 * (sums[3] / bn)
             + 0.08 * (sums[5] / float(_B))
             + 1.0 * (sums[4] / bn)
             + 0.1 * (sums[2] / bn))
    return total

# --- scband reference (transcript-rebuilt; emitter-appended) ---
"""Pipeline reference for scband-physics-informed-loss-3642132267418 (READ-ONLY COPY).

The authoritative reference and input builder live on the scoring server;
editing this copy changes nothing except your own understanding.
"""

import jax, jax.numpy as jnp
import numpy as np

B, N, E = 2, 100000, 3200000


def setup_inputs(seed: int = 0) -> dict:
    key = jax.random.key(seed)
    ks = jax.random.split(key, 14)
    return {
        "failure_probability": jax.random.uniform(ks[0], (B, N, 1), dtype=jnp.float32),
        "failure_label": jax.random.uniform(ks[1], (B, N, 1), dtype=jnp.float32),
        "voltages": jax.random.uniform(ks[2], (B, N, 1), dtype=jnp.float32),
        "angles": jax.random.normal(ks[3], (B, N, 1), dtype=jnp.float32),
        "line_flows": jax.random.normal(ks[4], (B, E, 1), dtype=jnp.float32),
        "frequency": jax.random.normal(ks[5], (B, 1), dtype=jnp.float32),
        "target_voltages": jax.random.uniform(ks[6], (B, N, 1), dtype=jnp.float32),
        "conductance": jax.random.uniform(ks[7], (B, E), dtype=jnp.float32),
        "susceptance": jax.random.uniform(ks[8], (B, E), dtype=jnp.float32),
        "power_injection": jax.random.normal(ks[9], (B, N, 1), dtype=jnp.float32),
        "thermal_limits": jax.random.uniform(ks[10], (B, E), dtype=jnp.float32),
        "reactive_injection": jax.random.normal(ks[11], (B, N, 1), dtype=jnp.float32),
        "power_imbalance": jax.random.normal(ks[12], (B, 1), dtype=jnp.float32),
        "edge_index": jax.random.randint(ks[13], (2, E), 0, N, dtype=jnp.int32),
    }


def reference(failure_probability, failure_label, voltages, angles, line_flows,
              frequency, target_voltages, conductance, susceptance,
              power_injection, thermal_limits, reactive_injection,
              power_imbalance, edge_index):
    lam_pf, lam_cap, lam_stab, lam_freq, lam_react, lam_volt = 0.1, 0.05, 0.05, 0.08, 0.1, 1.0
    src = edge_index[0]
    dst = edge_index[1]
    bsz = voltages.shape[0]
    num_nodes = voltages.shape[1]

    # prediction loss: binary cross entropy
    p = jnp.clip(failure_probability, 1e-6, 1.0 - 1e-6)
    L_pred = jnp.mean(-(failure_label * jnp.log(p) + (1.0 - failure_label) * jnp.log(1.0 - p)))

    # gather endpoint quantities (SparseCore gather)
    V_i = jnp.take(voltages, src, axis=1)
    V_j = jnp.take(voltages, dst, axis=1)
    theta_ij = jnp.take(angles, src, axis=1) - jnp.take(angles, dst, axis=1)
    g = conductance[:, :, None]
    b = susceptance[:, :, None]

    # active power flow residual
    P_ij = (V_i * V_j * (g * jnp.cos(theta_ij) + b * jnp.sin(theta_ij)))[..., 0]
    P_calc = jnp.zeros((bsz, num_nodes), voltages.dtype)
    P_calc = P_calc.at[:, src].add(P_ij)
    P_calc = P_calc.at[:, dst].add(-P_ij)
    L_pf = jnp.mean((P_calc[..., None] - power_injection) ** 2)

    # capacity constraint violations
    tl = thermal_limits[:, :, None]
    viol = jax.nn.relu(jnp.abs(line_flows) - tl)
    L_cap = jnp.mean(viol ** 2)

    # voltage stability band [0.95, 1.05]
    low = jax.nn.relu(0.95 - voltages)
    high = jax.nn.relu(voltages - 1.05)
    L_stab = jnp.mean(low ** 2 + high ** 2)

    # swing-equation frequency loss
    expected_freq = 60.0 + power_imbalance / (2.0 * 5.0) * 60.0
    L_freq = jnp.mean((frequency - expected_freq) ** 2)

    # voltage supervision
    L_volt = jnp.mean((voltages - target_voltages) ** 2)

    # reactive power residual
    Q_ij = (V_i * V_j * (g * jnp.sin(theta_ij) - b * jnp.cos(theta_ij)))[..., 0]
    Q_calc = jnp.zeros((bsz, num_nodes), voltages.dtype)
    Q_calc = Q_calc.at[:, src].add(Q_ij)
    Q_calc = Q_calc.at[:, dst].add(-Q_ij)
    L_react = jnp.mean((Q_calc[..., None] - reactive_injection) ** 2)

    total = (L_pred + lam_pf * L_pf + lam_cap * L_cap + lam_stab * L_stab
             + lam_freq * L_freq + lam_volt * L_volt + lam_react * L_react)
    return total

if __name__ == "__main__":
    import jax
    _d = setup_inputs()
    print(jax.jit(kernel)(*tuple(_d.values())))

</pallas_src>

<mosaic_0001>
#map = affine_map<(d0, d1) -> (0)>
#map1 = affine_map<(d0, d1) -> (0, 0)>
#map2 = affine_map<(d0, d1) -> (0, 0, 0)>
module attributes {stable_mosaic.version = 14 : i64} {
  func.func @_sc_flow_body(%arg0: i32, %arg1: i32, %arg2: memref<102400xf32, #tpu.memory_space<hbm>>, %arg3: memref<102400xf32, #tpu.memory_space<hbm>>, %arg4: memref<102400xf32, #tpu.memory_space<hbm>>, %arg5: memref<102400xf32, #tpu.memory_space<hbm>>, %arg6: memref<3200000xi32, #tpu.memory_space<hbm>>, %arg7: memref<3200000xi32, #tpu.memory_space<hbm>>, %arg8: memref<2x3200000xf32, #tpu.memory_space<hbm>>, %arg9: memref<2x3200000xf32, #tpu.memory_space<hbm>>, %arg10: memref<2x2x102400xf32, #tpu.memory_space<hbm>>, %arg11: memref<2x2x102400xf32, #tpu.memory_space<hbm>>, %arg12: memref<102400xf32, #tpu.memory_space<vmem_shared>>, %arg13: memref<102400xf32, #tpu.memory_space<vmem_shared>>, %arg14: memref<102400xf32, #tpu.memory_space<vmem_shared>>, %arg15: memref<102400xf32, #tpu.memory_space<vmem_shared>>, %arg16: memref<102400xf32, #tpu.memory_space<vmem_shared>>, %arg17: memref<102400xf32, #tpu.memory_space<vmem_shared>>, %arg18: memref<102400xf32, #tpu.memory_space<vmem_shared>>, %arg19: memref<102400xf32, #tpu.memory_space<vmem_shared>>, %arg20: memref<5120xi32, #tpu.memory_space<vmem>>, %arg21: memref<5120xi32, #tpu.memory_space<vmem>>, %arg22: memref<2x2x5120xf32, #tpu.memory_space<vmem>>, %arg23: memref<5120xf32, #tpu.memory_space<vmem>>, %arg24: memref<5120xf32, #tpu.memory_space<vmem>>, %arg25: memref<5120xf32, #tpu.memory_space<vmem>>, %arg26: memref<5120xf32, #tpu.memory_space<vmem>>, %arg27: memref<5120xf32, #tpu.memory_space<vmem>>, %arg28: memref<5120xf32, #tpu.memory_space<vmem>>, %arg29: memref<5120xf32, #tpu.memory_space<vmem>>, %arg30: memref<5120xf32, #tpu.memory_space<vmem>>, %arg31: memref<6400xf32, #tpu.memory_space<vmem>>, %arg32: memref<!tpu.dma_semaphore, #tpu.memory_space<semaphore_mem>>, %arg33: memref<!tpu.dma_semaphore, #tpu.memory_space<semaphore_mem>>) attributes {dimension_semantics = [#tpu.dimension_semantics<core_parallel>, #tpu.dimension_semantics<subcore_parallel>], iteration_bounds = array<i64: 2, 16>, scalar_prefetch = 0 : i64, scratch_operands = 22 : i64, tpu.core_type = #tpu.core_type<sc_vector_subcore>, window_params = [{transform_indices = #map}, {transform_indices = #map}, {transform_indices = #map}, {transform_indices = #map}, {transform_indices = #map}, {transform_indices = #map}, {transform_indices = #map1}, {transform_indices = #map1}, {transform_indices = #map2}, {transform_indices = #map2}]} {
    %mul3A = arith.constant 16 : i32
    %mul3A_0 = arith.muli %arg0, %mul3A : i32
    %add3A = arith.addi %mul3A_0, %arg1 : i32
    %mul3A_1 = arith.constant 6400 : i32
    %mul3A_2 = arith.muli %arg1, %mul3A_1 : i32
    %scan3A = arith.constant 0 : i32
    %scan3A_3 = arith.constant 400 : i32
    %scan3A_4 = arith.addi %scan3A, %scan3A_3 : i32
    %scan3A_5 = arith.constant 1 : i32
    scf.for %scan3A_41 = %scan3A to %scan3A_4 step %scan3A_5  : i32 {
      %broadcast_in_dim3A = arith.constant 0.000000e+00 : f32
      %broadcast_in_dim3A_42 = vector.broadcast %broadcast_in_dim3A : f32 to vector<16xf32>
      %mul3A_43 = arith.constant 16 : i32
      %mul3A_44 = arith.muli %scan3A_41, %mul3A_43 : i32
      %swap3A = arith.index_cast %mul3A_44 : i32 to index
      %swap3A_45 = tpu.vector_load %arg31[%swap3A] {strides = array<i32>} : memref<6400xf32, #tpu.memory_space<vmem>>, vector<16xf32>,
      %swap3A_46 = vector.shape_cast %swap3A_45 : vector<16xf32> to vector<16xf32>
      %swap3A_47 = vector.shape_cast %broadcast_in_dim3A_42 : vector<16xf32> to vector<16xf32>
      tpu.vector_store %arg31[%swap3A], %swap3A_47 {strides = array<i32>} : memref<6400xf32, #tpu.memory_space<vmem>>, vector<16xf32>,
    }
    %scan3A_6 = arith.constant 400 : i32
    "tpu.region"() ({
      %run_scoped3A_41 = tpu.sem_alloc : memref<!tpu.dma_semaphore, #tpu.memory_space<semaphore_mem>>
      %dma_start3A = tpu.memref_slice %arg16[%mul3A_2] : memref<102400xf32, #tpu.memory_space<vmem_shared>> -> memref<6400xf32, #tpu.memory_space<vmem_shared>>
      %dma_start3A_42 = tpu.memref_slice %arg16[%mul3A_2] : memref<102400xf32, #tpu.memory_space<vmem_shared>> -> memref<6400xf32, #tpu.memory_space<vmem_shared>>
      tpu.enqueue_dma source(%arg31 : memref<6400xf32, #tpu.memory_space<vmem>>) target(%dma_start3A_42 : memref<6400xf32, #tpu.memory_space<vmem_shared>>) target_semaphore(%run_scoped3A_41 : memref<!tpu.dma_semaphore, #tpu.memory_space<semaphore_mem>>)
      %dma_wait3A = tpu.memref_slice %arg16[%mul3A_2] : memref<102400xf32, #tpu.memory_space<vmem_shared>> -> memref<6400xf32, #tpu.memory_space<vmem_shared>>
      %dma_wait3A_43 = tpu.memref_slice %arg16[%mul3A_2] : memref<102400xf32, #tpu.memory_space<vmem_shared>> -> memref<6400xf32, #tpu.memory_space<vmem_shared>>
      tpu.wait_dma2 semaphore(%run_scoped3A_41 : memref<!tpu.dma_semaphore, #tpu.memory_space<semaphore_mem>>) src(%arg31 : memref<6400xf32, #tpu.memory_space<vmem>>) dst(%dma_wait3A_43 : memref<6400xf32, #tpu.memory_space<vmem_shared>>)
      tpu.yield
    }) : () -> ()
    "tpu.region"() ({
      %run_scoped3A_41 = tpu.sem_alloc : memref<!tpu.dma_semaphore, #tpu.memory_space<semaphore_mem>>
      %dma_start3A = tpu.memref_slice %arg17[%mul3A_2] : memref<102400xf32, #tpu.memory_space<vmem_shared>> -> memref<6400xf32, #tpu.memory_space<vmem_shared>>
      %dma_start3A_42 = tpu.memref_slice %arg17[%mul3A_2] : memref<102400xf32, #tpu.memory_space<vmem_shared>> -> memref<6400xf32, #tpu.memory_space<vmem_shared>>
      tpu.enqueue_dma source(%arg31 : memref<6400xf32, #tpu.memory_space<vmem>>) target(%dma_start3A_42 : memref<6400xf32, #tpu.memory_space<vmem_shared>>) target_semaphore(%run_scoped3A_41 : memref<!tpu.dma_semaphore, #tpu.memory_space<semaphore_mem>>)
      %dma_wait3A = tpu.memref_slice %arg17[%mul3A_2] : memref<102400xf32, #tpu.memory_space<vmem_shared>> -> memref<6400xf32, #tpu.memory_space<vmem_shared>>
      %dma_wait3A_43 = tpu.memref_slice %arg17[%mul3A_2] : memref<102400xf32, #tpu.memory_space<vmem_shared>> -> memref<6400xf32, #tpu.memory_space<vmem_shared>>
      tpu.wait_dma2 semaphore(%run_scoped3A_41 : memref<!tpu.dma_semaphore, #tpu.memory_space<semaphore_mem>>) src(%arg31 : memref<6400xf32, #tpu.memory_space<vmem>>) dst(%dma_wait3A_43 : memref<6400xf32, #tpu.memory_space<vmem_shared>>)
      tpu.yield
    }) : () -> ()
    "tpu.region"() ({
      %run_scoped3A_41 = tpu.sem_alloc : memref<!tpu.dma_semaphore, #tpu.memory_space<semaphore_mem>>
      %dma_start3A = tpu.memref_slice %arg18[%mul3A_2] : memref<102400xf32, #tpu.memory_space<vmem_shared>> -> memref<6400xf32, #tpu.memory_space<vmem_shared>>
      %dma_start3A_42 = tpu.memref_slice %arg18[%mul3A_2] : memref<102400xf32, #tpu.memory_space<vmem_shared>> -> memref<6400xf32, #tpu.memory_space<vmem_shared>>
      tpu.enqueue_dma source(%arg31 : memref<6400xf32, #tpu.memory_space<vmem>>) target(%dma_start3A_42 : memref<6400xf32, #tpu.memory_space<vmem_shared>>) target_semaphore(%run_scoped3A_41 : memref<!tpu.dma_semaphore, #tpu.memory_space<semaphore_mem>>)
      %dma_wait3A = tpu.memref_slice %arg18[%mul3A_2] : memref<102400xf32, #tpu.memory_space<vmem_shared>> -> memref<6400xf32, #tpu.memory_space<vmem_shared>>
      %dma_wait3A_43 = tpu.memref_slice %arg18[%mul3A_2] : memref<102400xf32, #tpu.memory_space<vmem_shared>> -> memref<6400xf32, #tpu.memory_space<vmem_shared>>
      tpu.wait_dma2 semaphore(%run_scoped3A_41 : memref<!tpu.dma_semaphore, #tpu.memory_space<semaphore_mem>>) src(%arg31 : memref<6400xf32, #tpu.memory_space<vmem>>) dst(%dma_wait3A_43 : memref<6400xf32, #tpu.memory_space<vmem_shared>>)
      tpu.yield
    }) : () -> ()
    "tpu.region"() ({
      %run_scoped3A_41 = tpu.sem_alloc : memref<!tpu.dma_semaphore, #tpu.memory_space<semaphore_mem>>
      %dma_start3A = tpu.memref_slice %arg19[%mul3A_2] : memref<102400xf32, #tpu.memory_space<vmem_shared>> -> memref<6400xf32, #tpu.memory_space<vmem_shared>>
      %dma_start3A_42 = tpu.memref_slice %arg19[%mul3A_2] : memref<102400xf32, #tpu.memory_space<vmem_shared>> -> memref<6400xf32, #tpu.memory_space<vmem_shared>>
      tpu.enqueue_dma source(%arg31 : memref<6400xf32, #tpu.memory_space<vmem>>) target(%dma_start3A_42 : memref<6400xf32, #tpu.memory_space<vmem_shared>>) target_semaphore(%run_scoped3A_41 : memref<!tpu.dma_semaphore, #tpu.memory_space<semaphore_mem>>)
      %dma_wait3A = tpu.memref_slice %arg19[%mul3A_2] : memref<102400xf32, #tpu.memory_space<vmem_shared>> -> memref<6400xf32, #tpu.memory_space<vmem_shared>>
      %dma_wait3A_43 = tpu.memref_slice %arg19[%mul3A_2] : memref<102400xf32, #tpu.memory_space<vmem_shared>> -> memref<6400xf32, #tpu.memory_space<vmem_shared>>
      tpu.wait_dma2 semaphore(%run_scoped3A_41 : memref<!tpu.dma_semaphore, #tpu.memory_space<semaphore_mem>>) src(%arg31 : memref<6400xf32, #tpu.memory_space<vmem>>) dst(%dma_wait3A_43 : memref<6400xf32, #tpu.memory_space<vmem_shared>>)
      tpu.yield
    }) : () -> ()
    "tpu.region"() ({
      %run_scoped3A_41 = tpu.sem_alloc : memref<!tpu.dma_semaphore, #tpu.memory_space<semaphore_mem>>
      %dma_start3A = tpu.memref_slice %arg12[%mul3A_2] : memref<102400xf32, #tpu.memory_space<vmem_shared>> -> memref<6400xf32, #tpu.memory_space<vmem_shared>>
      %dma_start3A_42 = tpu.memref_slice %arg2[%mul3A_2] : memref<102400xf32, #tpu.memory_space<hbm>> -> memref<6400xf32, #tpu.memory_space<hbm>>
      tpu.enqueue_dma source(%dma_start3A_42 : memref<6400xf32, #tpu.memory_space<hbm>>) target(%dma_start3A : memref<6400xf32, #tpu.memory_space<vmem_shared>>) target_semaphore(%run_scoped3A_41 : memref<!tpu.dma_semaphore, #tpu.memory_space<semaphore_mem>>)
      %dma_wait3A = tpu.memref_slice %arg12[%mul3A_2] : memref<102400xf32, #tpu.memory_space<vmem_shared>> -> memref<6400xf32, #tpu.memory_space<vmem_shared>>
      %dma_wait3A_43 = tpu.memref_slice %arg2[%mul3A_2] : memref<102400xf32, #tpu.memory_space<hbm>> -> memref<6400xf32, #tpu.memory_space<hbm>>
      tpu.wait_dma2 semaphore(%run_scoped3A_41 : memref<!tpu.dma_semaphore, #tpu.memory_space<semaphore_mem>>) src(%dma_wait3A_43 : memref<6400xf32, #tpu.memory_space<hbm>>) dst(%dma_wait3A : memref<6400xf32, #tpu.memory_space<vmem_shared>>)
      tpu.yield
    }) : () -> ()
    "tpu.region"() ({
      %run_scoped3A_41 = tpu.sem_alloc : memref<!tpu.dma_semaphore, #tpu.memory_space<semaphore_mem>>
      %dma_start3A = tpu.memref_slice %arg13[%mul3A_2] : memref<102400xf32, #tpu.memory_space<vmem_shared>> -> memref<6400xf32, #tpu.memory_space<vmem_shared>>
      %dma_start3A_42 = tpu.memref_slice %arg3[%mul3A_2] : memref<102400xf32, #tpu.memory_space<hbm>> -> memref<6400xf32, #tpu.memory_space<hbm>>
      tpu.enqueue_dma source(%dma_start3A_42 : memref<6400xf32, #tpu.memory_space<hbm>>) target(%dma_start3A : memref<6400xf32, #tpu.memory_space<vmem_shared>>) target_semaphore(%run_scoped3A_41 : memref<!tpu.dma_semaphore, #tpu.memory_space<semaphore_mem>>)
      %dma_wait3A = tpu.memref_slice %arg13[%mul3A_2] : memref<102400xf32, #tpu.memory_space<vmem_shared>> -> memref<6400xf32, #tpu.memory_space<vmem_shared>>
      %dma_wait3A_43 = tpu.memref_slice %arg3[%mul3A_2] : memref<102400xf32, #tpu.memory_space<hbm>> -> memref<6400xf32, #tpu.memory_space<hbm>>
      tpu.wait_dma2 semaphore(%run_scoped3A_41 : memref<!tpu.dma_semaphore, #tpu.memory_space<semaphore_mem>>) src(%dma_wait3A_43 : memref<6400xf32, #tpu.memory_space<hbm>>) dst(%dma_wait3A : memref<6400xf32, #tpu.memory_space<vmem_shared>>)
      tpu.yield
    }) : () -> ()
    "tpu.region"() ({
      %run_scoped3A_41 = tpu.sem_alloc : memref<!tpu.dma_semaphore, #tpu.memory_space<semaphore_mem>>
      %dma_start3A = tpu.memref_slice %arg14[%mul3A_2] : memref<102400xf32, #tpu.memory_space<vmem_shared>> -> memref<6400xf32, #tpu.memory_space<vmem_shared>>
      %dma_start3A_42 = tpu.memref_slice %arg4[%mul3A_2] : memref<102400xf32, #tpu.memory_space<hbm>> -> memref<6400xf32, #tpu.memory_space<hbm>>
      tpu.enqueue_dma source(%dma_start3A_42 : memref<6400xf32, #tpu.memory_space<hbm>>) target(%dma_start3A : memref<6400xf32, #tpu.memory_space<vmem_shared>>) target_semaphore(%run_scoped3A_41 : memref<!tpu.dma_semaphore, #tpu.memory_space<semaphore_mem>>)
      %dma_wait3A = tpu.memref_slice %arg14[%mul3A_2] : memref<102400xf32, #tpu.memory_space<vmem_shared>> -> memref<6400xf32, #tpu.memory_space<vmem_shared>>
      %dma_wait3A_43 = tpu.memref_slice %arg4[%mul3A_2] : memref<102400xf32, #tpu.memory_space<hbm>> -> memref<6400xf32, #tpu.memory_space<hbm>>
      tpu.wait_dma2 semaphore(%run_scoped3A_41 : memref<!tpu.dma_semaphore, #tpu.memory_space<semaphore_mem>>) src(%dma_wait3A_43 : memref<6400xf32, #tpu.memory_space<hbm>>) dst(%dma_wait3A : memref<6400xf32, #tpu.memory_space<vmem_shared>>)
      tpu.yield
    }) : () -> ()
    "tpu.region"() ({
      %run_scoped3A_41 = tpu.sem_alloc : memref<!tpu.dma_semaphore, #tpu.memory_space<semaphore_mem>>
      %dma_start3A = tpu.memref_slice %arg15[%mul3A_2] : memref<102400xf32, #tpu.memory_space<vmem_shared>> -> memref<6400xf32, #tpu.memory_space<vmem_shared>>
      %dma_start3A_42 = tpu.memref_slice %arg5[%mul3A_2] : memref<102400xf32, #tpu.memory_space<hbm>> -> memref<6400xf32, #tpu.memory_space<hbm>>
      tpu.enqueue_dma source(%dma_start3A_42 : memref<6400xf32, #tpu.memory_space<hbm>>) target(%dma_start3A : memref<6400xf32, #tpu.memory_space<vmem_shared>>) target_semaphore(%run_scoped3A_41 : memref<!tpu.dma_semaphore, #tpu.memory_space<semaphore_mem>>)
      %dma_wait3A = tpu.memref_slice %arg15[%mul3A_2] : memref<102400xf32, #tpu.memory_space<vmem_shared>> -> memref<6400xf32, #tpu.memory_space<vmem_shared>>
      %dma_wait3A_43 = tpu.memref_slice %arg5[%mul3A_2] : memref<102400xf32, #tpu.memory_space<hbm>> -> memref<6400xf32, #tpu.memory_space<hbm>>
      tpu.wait_dma2 semaphore(%run_scoped3A_41 : memref<!tpu.dma_semaphore, #tpu.memory_space<semaphore_mem>>) src(%dma_wait3A_43 : memref<6400xf32, #tpu.memory_space<hbm>>) dst(%dma_wait3A : memref<6400xf32, #tpu.memory_space<vmem_shared>>)
      tpu.yield
    }) : () -> ()
    %barrier3A = arith.constant 0 : index
    tpu.barrier barrier_id(%barrier3A)
    %sub3A = arith.constant 625 : i32
    %sub3A_7 = arith.subi %sub3A, %add3A : i32
    %add3A_8 = arith.constant 32 : i32
    %add3A_9 = arith.addi %sub3A_7, %add3A_8 : i32
    %sub3A_10 = arith.constant 1 : i32
    %sub3A_11 = arith.subi %add3A_9, %sub3A_10 : i32
    %jit3A = arith.constant 32 : i32
    %div3A = arith.divsi %sub3A_11, %jit3A : i32
    %sign3A = arith.constant 0 : i32
    %sign3A_12 = arith.cmpi sgt, %sub3A_11, %sign3A : i32
    %sign3A_13 = arith.extui %sign3A_12 : i1 to i32
    %sign3A_14 = arith.constant 0 : i32
    %sign3A_15 = arith.cmpi slt, %sub3A_11, %sign3A_14 : i32
    %sign3A_16 = arith.extui %sign3A_15 : i1 to i32
    %sign3A_17 = arith.subi %sign3A_13, %sign3A_16 : i32
    %sign3A_18 = arith.constant 0 : i32
    %sign3A_19 = arith.cmpi sgt, %jit3A, %sign3A_18 : i32
    %sign3A_20 = arith.extui %sign3A_19 : i1 to i32
    %sign3A_21 = arith.constant 0 : i32
    %sign3A_22 = arith.cmpi slt, %jit3A, %sign3A_21 : i32
    %sign3A_23 = arith.extui %sign3A_22 : i1 to i32
    %sign3A_24 = arith.subi %sign3A_20, %sign3A_23 : i32
    %ne3A = arith.cmpi ne, %sign3A_17, %sign3A_24 : i32
    %rem3A = arith.remsi %sub3A_11, %jit3A : i32
    %ne3A_25 = arith.constant 0 : i32
    %ne3A_26 = arith.cmpi ne, %rem3A, %ne3A_25 : i32
    %and3A = arith.andi %ne3A, %ne3A_26 : i1
    %sub3A_27 = arith.constant 1 : i32
    %sub3A_28 = arith.subi %div3A, %sub3A_27 : i32
    %select_n3A = arith.select %and3A, %sub3A_28, %div3A : i32
    %while3A = arith.constant 0 : i32
    %while3A_29 = arith.subi %select_n3A, %while3A : i32
    %while3A_30 = arith.addi %while3A, %while3A_29 : i32
    %while3A_31 = arith.constant 1 : i32
    %while3A_32 = arith.divsi %while3A_29, %while3A_31 : i32
    %while3A_33 = arith.muli %while3A_32, %while3A_31 : i32
    %while3A_34 = arith.addi %while3A, %while3A_33 : i32
    %while3A_35 = arith.constant 1 : i32
    scf.for %while3A_41 = %while3A to %while3A_34 step %while3A_35  : i32 {
      %mul3A_42 = arith.constant 32 : i32
      %mul3A_43 = arith.muli %while3A_41, %mul3A_42 : i32
      %add3A_44 = arith.addi %add3A, %mul3A_43 : i32
      %mul3A_45 = arith.constant 5120 : i32
      %mul3A_46 = arith.muli %add3A_44, %mul3A_45 : i32
      "tpu.region"() ({
        %run_scoped3A_121 = tpu.sem_alloc : memref<!tpu.dma_semaphore, #tpu.memory_space<semaphore_mem>>
        %dma_start3A_122 = tpu.memref_slice %arg6[%mul3A_46] : memref<3200000xi32, #tpu.memory_space<hbm>> -> memref<5120xi32, #tpu.memory_space<hbm>>
        %dma_start3A_123 = tpu.memref_slice %arg6[%mul3A_46] : memref<3200000xi32, #tpu.memory_space<hbm>> -> memref<5120xi32, #tpu.memory_space<hbm>>
        tpu.enqueue_dma source(%dma_start3A_123 : memref<5120xi32, #tpu.memory_space<hbm>>) target(%arg20 : memref<5120xi32, #tpu.memory_space<vmem>>) target_semaphore(%run_scoped3A_121 : memref<!tpu.dma_semaphore, #tpu.memory_space<semaphore_mem>>)
        %dma_wait3A_124 = tpu.memref_slice %arg6[%mul3A_46] : memref<3200000xi32, #tpu.memory_space<hbm>> -> memref<5120xi32, #tpu.memory_space<hbm>>
        %dma_wait3A_125 = tpu.memref_slice %arg6[%mul3A_46] : memref<3200000xi32, #tpu.memory_space<hbm>> -> memref<5120xi32, #tpu.memory_space<hbm>>
        tpu.wait_dma2 semaphore(%run_scoped3A_121 : memref<!tpu.dma_semaphore, #tpu.memory_space<semaphore_mem>>) src(%dma_wait3A_125 : memref<5120xi32, #tpu.memory_space<hbm>>) dst(%arg20 : memref<5120xi32, #tpu.memory_space<vmem>>)
        tpu.yield
      }) : () -> ()
      "tpu.region"() ({
        %run_scoped3A_121 = tpu.sem_alloc : memref<!tpu.dma_semaphore, #tpu.memory_space<semaphore_mem>>
        %dma_start3A_122 = tpu.memref_slice %arg7[%mul3A_46] : memref<3200000xi32, #tpu.memory_space<hbm>> -> memref<5120xi32, #tpu.memory_space<hbm>>
        %dma_start3A_123 = tpu.memref_slice %arg7[%mul3A_46] : memref<3200000xi32, #tpu.memory_space<hbm>> -> memref<5120xi32, #tpu.memory_space<hbm>>
        tpu.enqueue_dma source(%dma_start3A_123 : memref<5120xi32, #tpu.memory_space<hbm>>) target(%arg21 : memref<5120xi32, #tpu.memory_space<vmem>>) target_semaphore(%run_scoped3A_121 : memref<!tpu.dma_semaphore, #tpu.memory_space<semaphore_mem>>)
        %dma_wait3A_124 = tpu.memref_slice %arg7[%mul3A_46] : memref<3200000xi32, #tpu.memory_space<hbm>> -> memref<5120xi32, #tpu.memory_space<hbm>>
        %dma_wait3A_125 = tpu.memref_slice %arg7[%mul3A_46] : memref<3200000xi32, #tpu.memory_space<hbm>> -> memref<5120xi32, #tpu.memory_space<hbm>>
        tpu.wait_dma2 semaphore(%run_scoped3A_121 : memref<!tpu.dma_semaphore, #tpu.memory_space<semaphore_mem>>) src(%dma_wait3A_125 : memref<5120xi32, #tpu.memory_space<hbm>>) dst(%arg21 : memref<5120xi32, #tpu.memory_space<vmem>>)
        tpu.yield
      }) : () -> ()
      %run_scoped3A_47 = arith.constant 0 : i32
      "tpu.region"() ({
        %run_scoped3A_121 = tpu.sem_alloc : memref<!tpu.dma_semaphore, #tpu.memory_space<semaphore_mem>>
        %dma_start3A_122 = arith.constant 0 : i32
        %dma_start3A_123 = arith.constant 0 : i32
        %dma_start3A_124 = tpu.memref_slice %arg22[%run_scoped3A_47, %dma_start3A_122, %dma_start3A_123] : memref<2x2x5120xf32, #tpu.memory_space<vmem>> -> memref<1x2x5120xf32, #tpu.memory_space<vmem>>
        %dma_start3A_125 = tpu.memref_squeeze %dma_start3A_124 : memref<1x2x5120xf32, #tpu.memory_space<vmem>> -> memref<2x5120xf32, #tpu.memory_space<vmem>>
        %dma_start3A_126 = arith.constant 0 : i32
        %dma_start3A_127 = tpu.memref_slice %arg8[%dma_start3A_126, %mul3A_46] : memref<2x3200000xf32, #tpu.memory_space<hbm>> -> memref<2x5120xf32, #tpu.memory_space<hbm>>
        %dma_start3A_128 = arith.constant 0 : i32
        %dma_start3A_129 = arith.constant 0 : i32
        %dma_start3A_130 = tpu.memref_slice %arg22[%run_scoped3A_47, %dma_start3A_128, %dma_start3A_129] : memref<2x2x5120xf32, #tpu.memory_space<vmem>> -> memref<1x2x5120xf32, #tpu.memory_space<vmem>>
        %dma_start3A_131 = tpu.memref_squeeze %dma_start3A_130 : memref<1x2x5120xf32, #tpu.memory_space<vmem>> -> memref<2x5120xf32, #tpu.memory_space<vmem>>
        %dma_start3A_132 = arith.constant 0 : i32
        %dma_start3A_133 = tpu.memref_slice %arg8[%dma_start3A_132, %mul3A_46] : memref<2x3200000xf32, #tpu.memory_space<hbm>> -> memref<2x5120xf32, #tpu.memory_space<hbm>>
        tpu.enqueue_dma source(%dma_start3A_133 : memref<2x5120xf32, #tpu.memory_space<hbm>>) target(%dma_start3A_131 : memref<2x5120xf32, #tpu.memory_space<vmem>>) target_semaphore(%run_scoped3A_121 : memref<!tpu.dma_semaphore, #tpu.memory_space<semaphore_mem>>)
        %dma_wait3A_134 = arith.constant 0 : i32
        %dma_wait3A_135 = arith.constant 0 : i32
        %dma_wait3A_136 = tpu.memref_slice %arg22[%run_scoped3A_47, %dma_wait3A_134, %dma_wait3A_135] : memref<2x2x5120xf32, #tpu.memory_space<vmem>> -> memref<1x2x5120xf32, #tpu.memory_space<vmem>>
        %dma_wait3A_137 = tpu.memref_squeeze %dma_wait3A_136 : memref<1x2x5120xf32, #tpu.memory_space<vmem>> -> memref<2x5120xf32, #tpu.memory_space<vmem>>
        %dma_wait3A_138 = arith.constant 0 : i32
        %dma_wait3A_139 = tpu.memref_slice %arg8[%dma_wait3A_138, %mul3A_46] : memref<2x3200000xf32, #tpu.memory_space<hbm>> -> memref<2x5120xf32, #tpu.memory_space<hbm>>
        %dma_wait3A_140 = arith.constant 0 : i32
        %dma_wait3A_141 = arith.constant 0 : i32
        %dma_wait3A_142 = tpu.memref_slice %arg22[%run_scoped3A_47, %dma_wait3A_140, %dma_wait3A_141] : memref<2x2x5120xf32, #tpu.memory_space<vmem>> -> memref<1x2x5120xf32, #tpu.memory_space<vmem>>
        %dma_wait3A_143 = tpu.memref_squeeze %dma_wait3A_142 : memref<1x2x5120xf32, #tpu.memory_space<vmem>> -> memref<2x5120xf32, #tpu.memory_space<vmem>>
        %dma_wait3A_144 = arith.constant 0 : i32
        %dma_wait3A_145 = tpu.memref_slice %arg8[%dma_wait3A_144, %mul3A_46] : memref<2x3200000xf32, #tpu.memory_space<hbm>> -> memref<2x5120xf32, #tpu.memory_space<hbm>>
        tpu.wait_dma2 semaphore(%run_scoped3A_121 : memref<!tpu.dma_semaphore, #tpu.memory_space<semaphore_mem>>) src(%dma_wait3A_145 : memref<2x5120xf32, #tpu.memory_space<hbm>>) dst(%dma_wait3A_143 : memref<2x5120xf32, #tpu.memory_space<vmem>>)
        tpu.yield
      }) : () -> ()
      %run_scoped3A_48 = arith.constant 1 : i32
      "tpu.region"() ({
        %run_scoped3A_121 = tpu.sem_alloc : memref<!tpu.dma_semaphore, #tpu.memory_space<semaphore_mem>>
        %dma_start3A_122 = arith.constant 0 : i32
        %dma_start3A_123 = arith.constant 0 : i32
        %dma_start3A_124 = tpu.memref_slice %arg22[%run_scoped3A_48, %dma_start3A_122, %dma_start3A_123] : memref<2x2x5120xf32, #tpu.memory_space<vmem>> -> memref<1x2x5120xf32, #tpu.memory_space<vmem>>
        %dma_start3A_125 = tpu.memref_squeeze %dma_start3A_124 : memref<1x2x5120xf32, #tpu.memory_space<vmem>> -> memref<2x5120xf32, #tpu.memory_space<vmem>>
        %dma_start3A_126 = arith.constant 0 : i32
        %dma_start3A_127 = tpu.memref_slice %arg9[%dma_start3A_126, %mul3A_46] : memref<2x3200000xf32, #tpu.memory_space<hbm>> -> memref<2x5120xf32, #tpu.memory_space<hbm>>
        %dma_start3A_128 = arith.constant 0 : i32
        %dma_start3A_129 = arith.constant 0 : i32
        %dma_start3A_130 = tpu.memref_slice %arg22[%run_scoped3A_48, %dma_start3A_128, %dma_start3A_129] : memref<2x2x5120xf32, #tpu.memory_space<vmem>> -> memref<1x2x5120xf32, #tpu.memory_space<vmem>>
        %dma_start3A_131 = tpu.memref_squeeze %dma_start3A_130 : memref<1x2x5120xf32, #tpu.memory_space<vmem>> -> memref<2x5120xf32, #tpu.memory_space<vmem>>
        %dma_start3A_132 = arith.constant 0 : i32
        %dma_start3A_133 = tpu.memref_slice %arg9[%dma_start3A_132, %mul3A_46] : memref<2x3200000xf32, #tpu.memory_space<hbm>> -> memref<2x5120xf32, #tpu.memory_space<hbm>>
        tpu.enqueue_dma source(%dma_start3A_133 : memref<2x5120xf32, #tpu.memory_space<hbm>>) target(%dma_start3A_131 : memref<2x5120xf32, #tpu.memory_space<vmem>>) target_semaphore(%run_scoped3A_121 : memref<!tpu.dma_semaphore, #tpu.memory_space<semaphore_mem>>)
        %dma_wait3A_134 = arith.constant 0 : i32
        %dma_wait3A_135 = arith.constant 0 : i32
        %dma_wait3A_136 = tpu.memref_slice %arg22[%run_scoped3A_48, %dma_wait3A_134, %dma_wait3A_135] : memref<2x2x5120xf32, #tpu.memory_space<vmem>> -> memref<1x2x5120xf32, #tpu.memory_space<vmem>>
        %dma_wait3A_137 = tpu.memref_squeeze %dma_wait3A_136 : memref<1x2x5120xf32, #tpu.memory_space<vmem>> -> memref<2x5120xf32, #tpu.memory_space<vmem>>
        %dma_wait3A_138 = arith.constant 0 : i32
        %dma_wait3A_139 = tpu.memref_slice %arg9[%dma_wait3A_138, %mul3A_46] : memref<2x3200000xf32, #tpu.memory_space<hbm>> -> memref<2x5120xf32, #tpu.memory_space<hbm>>
        %dma_wait3A_140 = arith.constant 0 : i32
        %dma_wait3A_141 = arith.constant 0 : i32
        %dma_wait3A_142 = tpu.memref_slice %arg22[%run_scoped3A_48, %dma_wait3A_140, %dma_wait3A_141] : memref<2x2x5120xf32, #tpu.memory_space<vmem>> -> memref<1x2x5120xf32, #tpu.memory_space<vmem>>
        %dma_wait3A_143 = tpu.memref_squeeze %dma_wait3A_142 : memref<1x2x5120xf32, #tpu.memory_space<vmem>> -> memref<2x5120xf32, #tpu.memory_space<vmem>>
        %dma_wait3A_144 = arith.constant 0 : i32
        %dma_wait3A_145 = tpu.memref_slice %arg9[%dma_wait3A_144, %mul3A_46] : memref<2x3200000xf32, #tpu.memory_space<hbm>> -> memref<2x5120xf32, #tpu.memory_space<hbm>>
        tpu.wait_dma2 semaphore(%run_scoped3A_121 : memref<!tpu.dma_semaphore, #tpu.memory_space<semaphore_mem>>) src(%dma_wait3A_145 : memref<2x5120xf32, #tpu.memory_space<hbm>>) dst(%dma_wait3A_143 : memref<2x5120xf32, #tpu.memory_space<vmem>>)
        tpu.yield
      }) : () -> ()
      %dma_start3A = arith.constant 0 : i32
      %dma_start3A_49 = tpu.memref_slice %arg12[%dma_start3A] : memref<102400xf32, #tpu.memory_space<vmem_shared>> -> memref<102400xf32, #tpu.memory_space<vmem_shared>>
      tpu.enqueue_indirect_dma source(%dma_start3A_49 : memref<102400xf32, #tpu.memory_space<vmem_shared>>) target(%arg23 : memref<5120xf32, #tpu.memory_space<vmem>>) offsets(%arg20 : memref<5120xi32, #tpu.memory_space<vmem>>) semaphore(%arg32 : memref<!tpu.dma_semaphore, #tpu.memory_space<semaphore_mem>>)
      %dma_start3A_50 = arith.constant 0 : i32
      %dma_start3A_51 = tpu.memref_slice %arg12[%dma_start3A_50] : memref<102400xf32, #tpu.memory_space<vmem_shared>> -> memref<102400xf32, #tpu.memory_space<vmem_shared>>
      tpu.enqueue_indirect_dma source(%dma_start3A_51 : memref<102400xf32, #tpu.memory_space<vmem_shared>>) target(%arg24 : memref<5120xf32, #tpu.memory_space<vmem>>) offsets(%arg21 : memref<5120xi32, #tpu.memory_space<vmem>>) semaphore(%arg32 : memref<!tpu.dma_semaphore, #tpu.memory_space<semaphore_mem>>)
      %dma_start3A_52 = arith.constant 0 : i32
      %dma_start3A_53 = tpu.memref_slice %arg14[%dma_start3A_52] : memref<102400xf32, #tpu.memory_space<vmem_shared>> -> memref<102400xf32, #tpu.memory_space<vmem_shared>>
      tpu.enqueue_indirect_dma source(%dma_start3A_53 : memref<102400xf32, #tpu.memory_space<vmem_shared>>) target(%arg25 : memref<5120xf32, #tpu.memory_space<vmem>>) offsets(%arg20 : memref<5120xi32, #tpu.memory_space<vmem>>) semaphore(%arg32 : memref<!tpu.dma_semaphore, #tpu.memory_space<semaphore_mem>>)
      %dma_start3A_54 = arith.constant 0 : i32
      %dma_start3A_55 = tpu.memref_slice %arg14[%dma_start3A_54] : memref<102400xf32, #tpu.memory_space<vmem_shared>> -> memref<102400xf32, #tpu.memory_space<vmem_shared>>
      tpu.enqueue_indirect_dma source(%dma_start3A_55 : memref<102400xf32, #tpu.memory_space<vmem_shared>>) target(%arg26 : memref<5120xf32, #tpu.memory_space<vmem>>) offsets(%arg21 : memref<5120xi32, #tpu.memory_space<vmem>>) semaphore(%arg32 : memref<!tpu.dma_semaphore, #tpu.memory_space<semaphore_mem>>)
      %dma_wait3A = arith.constant 0 : i32
      %dma_wait3A_56 = tpu.memref_slice %arg12[%dma_wait3A] : memref<102400xf32, #tpu.memory_space<vmem_shared>> -> memref<102400xf32, #tpu.memory_space<vmem_shared>>
      tpu.wait_indirect_dma semaphore(%arg32 : memref<!tpu.dma_semaphore, #tpu.memory_space<semaphore_mem>>) src(%dma_wait3A_56 : memref<102400xf32, #tpu.memory_space<vmem_shared>>) dst(%arg23 : memref<5120xf32, #tpu.memory_space<vmem>>)
      %dma_wait3A_57 = arith.constant 0 : i32
      %dma_wait3A_58 = tpu.memref_slice %arg12[%dma_wait3A_57] : memref<102400xf32, #tpu.memory_space<vmem_shared>> -> memref<102400xf32, #tpu.memory_space<vmem_shared>>
      tpu.wait_indirect_dma semaphore(%arg32 : memref<!tpu.dma_semaphore, #tpu.memory_space<semaphore_mem>>) src(%dma_wait3A_58 : memref<102400xf32, #tpu.memory_space<vmem_shared>>) dst(%arg24 : memref<5120xf32, #tpu.memory_space<vmem>>)
      %dma_wait3A_59 = arith.constant 0 : i32
      %dma_wait3A_60 = tpu.memref_slice %arg14[%dma_wait3A_59] : memref<102400xf32, #tpu.memory_space<vmem_shared>> -> memref<102400xf32, #tpu.memory_space<vmem_shared>>
      tpu.wait_indirect_dma semaphore(%arg32 : memref<!tpu.dma_semaphore, #tpu.memory_space<semaphore_mem>>) src(%dma_wait3A_60 : memref<102400xf32, #tpu.memory_space<vmem_shared>>) dst(%arg25 : memref<5120xf32, #tpu.memory_space<vmem>>)
      %dma_wait3A_61 = arith.constant 0 : i32
      %dma_wait3A_62 = tpu.memref_slice %arg14[%dma_wait3A_61] : memref<102400xf32, #tpu.memory_space<vmem_shared>> -> memref<102400xf32, #tpu.memory_space<vmem_shared>>
      tpu.wait_indirect_dma semaphore(%arg32 : memref<!tpu.dma_semaphore, #tpu.memory_space<semaphore_mem>>) src(%dma_wait3A_62 : memref<102400xf32, #tpu.memory_space<vmem_shared>>) dst(%arg26 : memref<5120xf32, #tpu.memory_space<vmem>>)
      %scan3A_63 = arith.constant 0 : i32
      %scan3A_64 = arith.constant 320 : i32
      %scan3A_65 = arith.addi %scan3A_63, %scan3A_64 : i32
      %scan3A_66 = arith.constant 1 : i32
      scf.for %scan3A_121 = %scan3A_63 to %scan3A_65 step %scan3A_66  : i32 {
        %mul3A_122 = arith.constant 16 : i32
        %mul3A_123 = arith.muli %scan3A_121, %mul3A_122 : i32
        %get3A = arith.index_cast %mul3A_123 : i32 to index
        %get3A_124 = tpu.vector_load %arg23[%get3A] {strides = array<i32>} : memref<5120xf32, #tpu.memory_space<vmem>>, vector<16xf32>,
        %get3A_125 = vector.shape_cast %get3A_124 : vector<16xf32> to vector<16xf32>
        %get3A_126 = arith.index_cast %mul3A_123 : i32 to index
        %get3A_127 = tpu.vector_load %arg24[%get3A_126] {strides = array<i32>} : memref<5120xf32, #tpu.memory_space<vmem>>, vector<16xf32>,
        %get3A_128 = vector.shape_cast %get3A_127 : vector<16xf32> to vector<16xf32>
        %get3A_129 = arith.index_cast %mul3A_123 : i32 to index
        %get3A_130 = tpu.vector_load %arg25[%get3A_129] {strides = array<i32>} : memref<5120xf32, #tpu.memory_space<vmem>>, vector<16xf32>,
        %get3A_131 = vector.shape_cast %get3A_130 : vector<16xf32> to vector<16xf32>
        %get3A_132 = arith.index_cast %mul3A_123 : i32 to index
        %get3A_133 = tpu.vector_load %arg26[%get3A_132] {strides = array<i32>} : memref<5120xf32, #tpu.memory_space<vmem>>, vector<16xf32>,
        %get3A_134 = vector.shape_cast %get3A_133 : vector<16xf32> to vector<16xf32>
        %mul3A_135 = arith.mulf %get3A_125, %get3A_128 : vector<16xf32>
        %mul3A_136 = arith.mulf %get3A_131, %get3A_134 : vector<16xf32>
        %add3A_137 = arith.addf %mul3A_135, %mul3A_136 : vector<16xf32>
        %mul3A_138 = arith.mulf %get3A_131, %get3A_128 : vector<16xf32>
        %mul3A_139 = arith.mulf %get3A_125, %get3A_134 : vector<16xf32>
        %sub3A_140 = arith.subf %mul3A_138, %mul3A_139 : vector<16xf32>
        %get3A_141 = arith.constant 0 : i32
        %get3A_142 = arith.constant 0 : i32
        %get3A_143 = arith.index_cast %get3A_141 : i32 to index
        %get3A_144 = arith.index_cast %get3A_142 : i32 to index
        %get3A_145 = arith.index_cast %mul3A_123 : i32 to index
        %get3A_146 = tpu.vector_load %arg22[%get3A_143, %get3A_144, %get3A_145] {strides = array<i32>} : memref<2x2x5120xf32, #tpu.memory_space<vmem>>, vector<1x1x16xf32>,
        %get3A_147 = vector.shape_cast %get3A_146 : vector<1x1x16xf32> to vector<16xf32>
        %get3A_148 = arith.constant 1 : i32
        %get3A_149 = arith.constant 0 : i32
        %get3A_150 = arith.index_cast %get3A_148 : i32 to index
        %get3A_151 = arith.index_cast %get3A_149 : i32 to index
        %get3A_152 = arith.index_cast %mul3A_123 : i32 to index
        %get3A_153 = tpu.vector_load %arg22[%get3A_150, %get3A_151, %get3A_152] {strides = array<i32>} : memref<2x2x5120xf32, #tpu.memory_space<vmem>>, vector<1x1x16xf32>,
        %get3A_154 = vector.shape_cast %get3A_153 : vector<1x1x16xf32> to vector<16xf32>
        %mul3A_155 = arith.mulf %get3A_147, %add3A_137 : vector<16xf32>
        %mul3A_156 = arith.mulf %get3A_154, %sub3A_140 : vector<16xf32>
        %add3A_157 = arith.addf %mul3A_155, %mul3A_156 : vector<16xf32>
        %mul3A_158 = arith.mulf %get3A_147, %sub3A_140 : vector<16xf32>
        %mul3A_159 = arith.mulf %get3A_154, %add3A_137 : vector<16xf32>
        %sub3A_160 = arith.subf %mul3A_158, %mul3A_159 : vector<16xf32>
        %swap3A = arith.index_cast %mul3A_123 : i32 to index
        %swap3A_161 = tpu.vector_load %arg27[%swap3A] {strides = array<i32>} : memref<5120xf32, #tpu.memory_space<vmem>>, vector<16xf32>,
        %swap3A_162 = vector.shape_cast %swap3A_161 : vector<16xf32> to vector<16xf32>
        %swap3A_163 = vector.shape_cast %add3A_157 : vector<16xf32> to vector<16xf32>
        tpu.vector_store %arg27[%swap3A], %swap3A_163 {strides = array<i32>} : memref<5120xf32, #tpu.memory_space<vmem>>, vector<16xf32>,
        %neg3A = arith.constant 0.000000e+00 : f32
        %neg3A_164 = vector.broadcast %neg3A : f32 to vector<16xf32>
        %neg3A_165 = arith.subf %neg3A_164, %add3A_157 : vector<16xf32>
        %swap3A_166 = arith.index_cast %mul3A_123 : i32 to index
        %swap3A_167 = tpu.vector_load %arg28[%swap3A_166] {strides = array<i32>} : memref<5120xf32, #tpu.memory_space<vmem>>, vector<16xf32>,
        %swap3A_168 = vector.shape_cast %swap3A_167 : vector<16xf32> to vector<16xf32>
        %swap3A_169 = vector.shape_cast %neg3A_165 : vector<16xf32> to vector<16xf32>
        tpu.vector_store %arg28[%swap3A_166], %swap3A_169 {strides = array<i32>} : memref<5120xf32, #tpu.memory_space<vmem>>, vector<16xf32>,
        %swap3A_170 = arith.index_cast %mul3A_123 : i32 to index
        %swap3A_171 = tpu.vector_load %arg29[%swap3A_170] {strides = array<i32>} : memref<5120xf32, #tpu.memory_space<vmem>>, vector<16xf32>,
        %swap3A_172 = vector.shape_cast %swap3A_171 : vector<16xf32> to vector<16xf32>
        %swap3A_173 = vector.shape_cast %sub3A_160 : vector<16xf32> to vector<16xf32>
        tpu.vector_store %arg29[%swap3A_170], %swap3A_173 {strides = array<i32>} : memref<5120xf32, #tpu.memory_space<vmem>>, vector<16xf32>,
        %neg3A_174 = arith.constant 0.000000e+00 : f32
        %neg3A_175 = vector.broadcast %neg3A_174 : f32 to vector<16xf32>
        %neg3A_176 = arith.subf %neg3A_175, %sub3A_160 : vector<16xf32>
        %swap3A_177 = arith.index_cast %mul3A_123 : i32 to index
        %swap3A_178 = tpu.vector_load %arg30[%swap3A_177] {strides = array<i32>} : memref<5120xf32, #tpu.memory_space<vmem>>, vector<16xf32>,
        %swap3A_179 = vector.shape_cast %swap3A_178 : vector<16xf32> to vector<16xf32>
        %swap3A_180 = vector.shape_cast %neg3A_176 : vector<16xf32> to vector<16xf32>
        tpu.vector_store %arg30[%swap3A_177], %swap3A_180 {strides = array<i32>} : memref<5120xf32, #tpu.memory_space<vmem>>, vector<16xf32>,
      }
      %scan3A_67 = arith.constant 320 : i32
      %dma_start3A_68 = arith.constant 0 : i32
      %dma_start3A_69 = tpu.memref_slice %arg16[%dma_start3A_68] : memref<102400xf32, #tpu.memory_space<vmem_shared>> -> memref<102400xf32, #tpu.memory_space<vmem_shared>>
      tpu.enqueue_indirect_dma source(%arg27 : memref<5120xf32, #tpu.memory_space<vmem>>) target(%dma_start3A_69 : memref<102400xf32, #tpu.memory_space<vmem_shared>>) offsets(%arg20 : memref<5120xi32, #tpu.memory_space<vmem>>) semaphore(%arg33 : memref<!tpu.dma_semaphore, #tpu.memory_space<semaphore_mem>>) {add = true}
      %dma_start3A_70 = arith.constant 0 : i32
      %dma_start3A_71 = tpu.memref_slice %arg16[%dma_start3A_70] : memref<102400xf32, #tpu.memory_space<vmem_shared>> -> memref<102400xf32, #tpu.memory_space<vmem_shared>>
      tpu.enqueue_indirect_dma source(%arg28 : memref<5120xf32, #tpu.memory_space<vmem>>) target(%dma_start3A_71 : memref<102400xf32, #tpu.memory_space<vmem_shared>>) offsets(%arg21 : memref<5120xi32, #tpu.memory_space<vmem>>) semaphore(%arg33 : memref<!tpu.dma_semaphore, #tpu.memory_space<semaphore_mem>>) {add = true}
      %dma_start3A_72 = arith.constant 0 : i32
      %dma_start3A_73 = tpu.memref_slice %arg18[%dma_start3A_72] : memref<102400xf32, #tpu.memory_space<vmem_shared>> -> memref<102400xf32, #tpu.memory_space<vmem_shared>>
      tpu.enqueue_indirect_dma source(%arg29 : memref<5120xf32, #tpu.memory_space<vmem>>) target(%dma_start3A_73 : memref<102400xf32, #tpu.memory_space<vmem_shared>>) offsets(%arg20 : memref<5120xi32, #tpu.memory_space<vmem>>) semaphore(%arg33 : memref<!tpu.dma_semaphore, #tpu.memory_space<semaphore_mem>>) {add = true}
      %dma_start3A_74 = arith.constant 0 : i32
      %dma_start3A_75 = tpu.memref_slice %arg18[%dma_start3A_74] : memref<102400xf32, #tpu.memory_space<vmem_shared>> -> memref<102400xf32, #tpu.memory_space<vmem_shared>>
      tpu.enqueue_indirect_dma source(%arg30 : memref<5120xf32, #tpu.memory_space<vmem>>) target(%dma_start3A_75 : memref<102400xf32, #tpu.memory_space<vmem_shared>>) offsets(%arg21 : memref<5120xi32, #tpu.memory_space<vmem>>) semaphore(%arg33 : memref<!tpu.dma_semaphore, #tpu.memory_space<semaphore_mem>>) {add = true}
      %dma_start3A_76 = arith.constant 0 : i32
      %dma_start3A_77 = tpu.memref_slice %arg13[%dma_start3A_76] : memref<102400xf32, #tpu.memory_space<vmem_shared>> -> memref<102400xf32, #tpu.memory_space<vmem_shared>>
      tpu.enqueue_indirect_dma source(%dma_start3A_77 : memref<102400xf32, #tpu.memory_space<vmem_shared>>) target(%arg23 : memref<5120xf32, #tpu.memory_space<vmem>>) offsets(%arg20 : memref<5120xi32, #tpu.memory_space<vmem>>) semaphore(%arg32 : memref<!tpu.dma_semaphore, #tpu.memory_space<semaphore_mem>>)
      %dma_start3A_78 = arith.constant 0 : i32
      %dma_start3A_79 = tpu.memref_slice %arg13[%dma_start3A_78] : memref<102400xf32, #tpu.memory_space<vmem_shared>> -> memref<102400xf32, #tpu.memory_space<vmem_shared>>
      tpu.enqueue_indirect_dma source(%dma_start3A_79 : memref<102400xf32, #tpu.memory_space<vmem_shared>>) target(%arg24 : memref<5120xf32, #tpu.memory_space<vmem>>) offsets(%arg21 : memref<5120xi32, #tpu.memory_space<vmem>>) semaphore(%arg32 : memref<!tpu.dma_semaphore, #tpu.memory_space<semaphore_mem>>)
      %dma_start3A_80 = arith.constant 0 : i32
      %dma_start3A_81 = tpu.memref_slice %arg15[%dma_start3A_80] : memref<102400xf32, #tpu.memory_space<vmem_shared>> -> memref<102400xf32, #tpu.memory_space<vmem_shared>>
      tpu.enqueue_indirect_dma source(%dma_start3A_81 : memref<102400xf32, #tpu.memory_space<vmem_shared>>) target(%arg25 : memref<5120xf32, #tpu.memory_space<vmem>>) offsets(%arg20 : memref<5120xi32, #tpu.memory_space<vmem>>) semaphore(%arg32 : memref<!tpu.dma_semaphore, #tpu.memory_space<semaphore_mem>>)
      %dma_start3A_82 = arith.constant 0 : i32
      %dma_start3A_83 = tpu.memref_slice %arg15[%dma_start3A_82] : memref<102400xf32, #tpu.memory_space<vmem_shared>> -> memref<102400xf32, #tpu.memory_space<vmem_shared>>
      tpu.enqueue_indirect_dma source(%dma_start3A_83 : memref<102400xf32, #tpu.memory_space<vmem_shared>>) target(%arg26 : memref<5120xf32, #tpu.memory_space<vmem>>) offsets(%arg21 : memref<5120xi32, #tpu.memory_space<vmem>>) semaphore(%arg32 : memref<!tpu.dma_semaphore, #tpu.memory_space<semaphore_mem>>)
      %dma_wait3A_84 = arith.constant 0 : i32
      %dma_wait3A_85 = tpu.memref_slice %arg13[%dma_wait3A_84] : memref<102400xf32, #tpu.memory_space<vmem_shared>> -> memref<102400xf32, #tpu.memory_space<vmem_shared>>
      tpu.wait_indirect_dma semaphore(%arg32 : memref<!tpu.dma_semaphore, #tpu.memory_space<semaphore_mem>>) src(%dma_wait3A_85 : memref<102400xf32, #tpu.memory_space<vmem_shared>>) dst(%arg23 : memref<5120xf32, #tpu.memory_space<vmem>>)
      %dma_wait3A_86 = arith.constant 0 : i32
      %dma_wait3A_87 = tpu.memref_slice %arg13[%dma_wait3A_86] : memref<102400xf32, #tpu.memory_space<vmem_shared>> -> memref<102400xf32, #tpu.memory_space<vmem_shared>>
      tpu.wait_indirect_dma semaphore(%arg32 : memref<!tpu.dma_semaphore, #tpu.memory_space<semaphore_mem>>) src(%dma_wait3A_87 : memref<102400xf32, #tpu.memory_space<vmem_shared>>) dst(%arg24 : memref<5120xf32, #tpu.memory_space<vmem>>)
      %dma_wait3A_88 = arith.constant 0 : i32
      %dma_wait3A_89 = tpu.memref_slice %arg15[%dma_wait3A_88] : memref<102400xf32, #tpu.memory_space<vmem_shared>> -> memref<102400xf32, #tpu.memory_space<vmem_shared>>
      tpu.wait_indirect_dma semaphore(%arg32 : memref<!tpu.dma_semaphore, #tpu.memory_space<semaphore_mem>>) src(%dma_wait3A_89 : memref<102400xf32, #tpu.memory_space<vmem_shared>>) dst(%arg25 : memref<5120xf32, #tpu.memory_space<vmem>>)
      %dma_wait3A_90 = arith.constant 0 : i32
      %dma_wait3A_91 = tpu.memref_slice %arg15[%dma_wait3A_90] : memref<102400xf32, #tpu.memory_space<vmem_shared>> -> memref<102400xf32, #tpu.memory_space<vmem_shared>>
      tpu.wait_indirect_dma semaphore(%arg32 : memref<!tpu.dma_semaphore, #tpu.memory_space<semaphore_mem>>) src(%dma_wait3A_91 : memref<102400xf32, #tpu.memory_space<vmem_shared>>) dst(%arg26 : memref<5120xf32, #tpu.memory_space<vmem>>)
      %dma_wait3A_92 = arith.constant 0 : i32
      %dma_wait3A_93 = tpu.memref_slice %arg16[%dma_wait3A_92] : memref<102400xf32, #tpu.memory_space<vmem_shared>> -> memref<102400xf32, #tpu.memory_space<vmem_shared>>
      tpu.wait_indirect_dma semaphore(%arg33 : memref<!tpu.dma_semaphore, #tpu.memory_space<semaphore_mem>>) src(%arg27 : memref<5120xf32, #tpu.memory_space<vmem>>) dst(%dma_wait3A_93 : memref<102400xf32, #tpu.memory_space<vmem_shared>>)
      %dma_wait3A_94 = arith.constant 0 : i32
      %dma_wait3A_95 = tpu.memref_slice %arg16[%dma_wait3A_94] : memref<102400xf32, #tpu.memory_space<vmem_shared>> -> memref<102400xf32, #tpu.memory_space<vmem_shared>>
      tpu.wait_indirect_dma semaphore(%arg33 : memref<!tpu.dma_semaphore, #tpu.memory_space<semaphore_mem>>) src(%arg28 : memref<5120xf32, #tpu.memory_space<vmem>>) dst(%dma_wait3A_95 : memref<102400xf32, #tpu.memory_space<vmem_shared>>)
      %dma_wait3A_96 = arith.constant 0 : i32
      %dma_wait3A_97 = tpu.memref_slice %arg18[%dma_wait3A_96] : memref<102400xf32, #tpu.memory_space<vmem_shared>> -> memref<102400xf32, #tpu.memory_space<vmem_shared>>
      tpu.wait_indirect_dma semaphore(%arg33 : memref<!tpu.dma_semaphore, #tpu.memory_space<semaphore_mem>>) src(%arg29 : memref<5120xf32, #tpu.memory_space<vmem>>) dst(%dma_wait3A_97 : memref<102400xf32, #tpu.memory_space<vmem_shared>>)
      %dma_wait3A_98 = arith.constant 0 : i32
      %dma_wait3A_99 = tpu.memref_slice %arg18[%dma_wait3A_98] : memref<102400xf32, #tpu.memory_space<vmem_shared>> -> memref<102400xf32, #tpu.memory_space<vmem_shared>>
      tpu.wait_indirect_dma semaphore(%arg33 : memref<!tpu.dma_semaphore, #tpu.memory_space<semaphore_mem>>) src(%arg30 : memref<5120xf32, #tpu.memory_space<vmem>>) dst(%dma_wait3A_99 : memref<102400xf32, #tpu.memory_space<vmem_shared>>)
      %scan3A_100 = arith.constant 0 : i32
      %scan3A_101 = arith.constant 320 : i32
      %scan3A_102 = arith.addi %scan3A_100, %scan3A_101 : i32
      %scan3A_103 = arith.constant 1 : i32
      scf.for %scan3A_121 = %scan3A_100 to %scan3A_102 step %scan3A_103  : i32 {
        %mul3A_122 = arith.constant 16 : i32
        %mul3A_123 = arith.muli %scan3A_121, %mul3A_122 : i32
        %get3A = arith.index_cast %mul3A_123 : i32 to index
        %get3A_124 = tpu.vector_load %arg23[%get3A] {strides = array<i32>} : memref<5120xf32, #tpu.memory_space<vmem>>, vector<16xf32>,
        %get3A_125 = vector.shape_cast %get3A_124 : vector<16xf32> to vector<16xf32>
        %get3A_126 = arith.index_cast %mul3A_123 : i32 to index
        %get3A_127 = tpu.vector_load %arg24[%get3A_126] {strides = array<i32>} : memref<5120xf32, #tpu.memory_space<vmem>>, vector<16xf32>,
        %get3A_128 = vector.shape_cast %get3A_127 : vector<16xf32> to vector<16xf32>
        %get3A_129 = arith.index_cast %mul3A_123 : i32 to index
        %get3A_130 = tpu.vector_load %arg25[%get3A_129] {strides = array<i32>} : memref<5120xf32, #tpu.memory_space<vmem>>, vector<16xf32>,
        %get3A_131 = vector.shape_cast %get3A_130 : vector<16xf32> to vector<16xf32>
        %get3A_132 = arith.index_cast %mul3A_123 : i32 to index
        %get3A_133 = tpu.vector_load %arg26[%get3A_132] {strides = array<i32>} : memref<5120xf32, #tpu.memory_space<vmem>>, vector<16xf32>,
        %get3A_134 = vector.shape_cast %get3A_133 : vector<16xf32> to vector<16xf32>
        %mul3A_135 = arith.mulf %get3A_125, %get3A_128 : vector<16xf32>
        %mul3A_136 = arith.mulf %get3A_131, %get3A_134 : vector<16xf32>
        %add3A_137 = arith.addf %mul3A_135, %mul3A_136 : vector<16xf32>
        %mul3A_138 = arith.mulf %get3A_131, %get3A_128 : vector<16xf32>
        %mul3A_139 = arith.mulf %get3A_125, %get3A_134 : vector<16xf32>
        %sub3A_140 = arith.subf %mul3A_138, %mul3A_139 : vector<16xf32>
        %get3A_141 = arith.constant 0 : i32
        %get3A_142 = arith.constant 1 : i32
        %get3A_143 = arith.index_cast %get3A_141 : i32 to index
        %get3A_144 = arith.index_cast %get3A_142 : i32 to index
        %get3A_145 = arith.index_cast %mul3A_123 : i32 to index
        %get3A_146 = tpu.vector_load %arg22[%get3A_143, %get3A_144, %get3A_145] {strides = array<i32>} : memref<2x2x5120xf32, #tpu.memory_space<vmem>>, vector<1x1x16xf32>,
        %get3A_147 = vector.shape_cast %get3A_146 : vector<1x1x16xf32> to vector<16xf32>
        %get3A_148 = arith.constant 1 : i32
        %get3A_149 = arith.constant 1 : i32
        %get3A_150 = arith.index_cast %get3A_148 : i32 to index
        %get3A_151 = arith.index_cast %get3A_149 : i32 to index
        %get3A_152 = arith.index_cast %mul3A_123 : i32 to index
        %get3A_153 = tpu.vector_load %arg22[%get3A_150, %get3A_151, %get3A_152] {strides = array<i32>} : memref<2x2x5120xf32, #tpu.memory_space<vmem>>, vector<1x1x16xf32>,
        %get3A_154 = vector.shape_cast %get3A_153 : vector<1x1x16xf32> to vector<16xf32>
        %mul3A_155 = arith.mulf %get3A_147, %add3A_137 : vector<16xf32>
        %mul3A_156 = arith.mulf %get3A_154, %sub3A_140 : vector<16xf32>
        %add3A_157 = arith.addf %mul3A_155, %mul3A_156 : vector<16xf32>
        %mul3A_158 = arith.mulf %get3A_147, %sub3A_140 : vector<16xf32>
        %mul3A_159 = arith.mulf %get3A_154, %add3A_137 : vector<16xf32>
        %sub3A_160 = arith.subf %mul3A_158, %mul3A_159 : vector<16xf32>
        %swap3A = arith.index_cast %mul3A_123 : i32 to index
        %swap3A_161 = tpu.vector_load %arg27[%swap3A] {strides = array<i32>} : memref<5120xf32, #tpu.memory_space<vmem>>, vector<16xf32>,
        %swap3A_162 = vector.shape_cast %swap3A_161 : vector<16xf32> to vector<16xf32>
        %swap3A_163 = vector.shape_cast %add3A_157 : vector<16xf32> to vector<16xf32>
        tpu.vector_store %arg27[%swap3A], %swap3A_163 {strides = array<i32>} : memref<5120xf32, #tpu.memory_space<vmem>>, vector<16xf32>,
        %neg3A = arith.constant 0.000000e+00 : f32
        %neg3A_164 = vector.broadcast %neg3A : f32 to vector<16xf32>
        %neg3A_165 = arith.subf %neg3A_164, %add3A_157 : vector<16xf32>
        %swap3A_166 = arith.index_cast %mul3A_123 : i32 to index
        %swap3A_167 = tpu.vector_load %arg28[%swap3A_166] {strides = array<i32>} : memref<5120xf32, #tpu.memory_space<vmem>>, vector<16xf32>,
        %swap3A_168 = vector.shape_cast %swap3A_167 : vector<16xf32> to vector<16xf32>
        %swap3A_169 = vector.shape_cast %neg3A_165 : vector<16xf32> to vector<16xf32>
        tpu.vector_store %arg28[%swap3A_166], %swap3A_169 {strides = array<i32>} : memref<5120xf32, #tpu.memory_space<vmem>>, vector<16xf32>,
        %swap3A_170 = arith.index_cast %mul3A_123 : i32 to index
        %swap3A_171 = tpu.vector_load %arg29[%swap3A_170] {strides = array<i32>} : memref<5120xf32, #tpu.memory_space<vmem>>, vector<16xf32>,
        %swap3A_172 = vector.shape_cast %swap3A_171 : vector<16xf32> to vector<16xf32>
        %swap3A_173 = vector.shape_cast %sub3A_160 : vector<16xf32> to vector<16xf32>
        tpu.vector_store %arg29[%swap3A_170], %swap3A_173 {strides = array<i32>} : memref<5120xf32, #tpu.memory_space<vmem>>, vector<16xf32>,
        %neg3A_174 = arith.constant 0.000000e+00 : f32
        %neg3A_175 = vector.broadcast %neg3A_174 : f32 to vector<16xf32>
        %neg3A_176 = arith.subf %neg3A_175, %sub3A_160 : vector<16xf32>
        %swap3A_177 = arith.index_cast %mul3A_123 : i32 to index
        %swap3A_178 = tpu.vector_load %arg30[%swap3A_177] {strides = array<i32>} : memref<5120xf32, #tpu.memory_space<vmem>>, vector<16xf32>,
        %swap3A_179 = vector.shape_cast %swap3A_178 : vector<16xf32> to vector<16xf32>
        %swap3A_180 = vector.shape_cast %neg3A_176 : vector<16xf32> to vector<16xf32>
        tpu.vector_store %arg30[%swap3A_177], %swap3A_180 {strides = array<i32>} : memref<5120xf32, #tpu.memory_space<vmem>>, vector<16xf32>,
      }
      %scan3A_104 = arith.constant 320 : i32
      %dma_start3A_105 = arith.constant 0 : i32
      %dma_start3A_106 = tpu.memref_slice %arg17[%dma_start3A_105] : memref<102400xf32, #tpu.memory_space<vmem_shared>> -> memref<102400xf32, #tpu.memory_space<vmem_shared>>
      tpu.enqueue_indirect_dma source(%arg27 : memref<5120xf32, #tpu.memory_space<vmem>>) target(%dma_start3A_106 : memref<102400xf32, #tpu.memory_space<vmem_shared>>) offsets(%arg20 : memref<5120xi32, #tpu.memory_space<vmem>>) semaphore(%arg33 : memref<!tpu.dma_semaphore, #tpu.memory_space<semaphore_mem>>) {add = true}
      %dma_start3A_107 = arith.constant 0 : i32
      %dma_start3A_108 = tpu.memref_slice %arg17[%dma_start3A_107] : memref<102400xf32, #tpu.memory_space<vmem_shared>> -> memref<102400xf32, #tpu.memory_space<vmem_shared>>
      tpu.enqueue_indirect_dma source(%arg28 : memref<5120xf32, #tpu.memory_space<vmem>>) target(%dma_start3A_108 : memref<102400xf32, #tpu.memory_space<vmem_shared>>) offsets(%arg21 : memref<5120xi32, #tpu.memory_space<vmem>>) semaphore(%arg33 : memref<!tpu.dma_semaphore, #tpu.memory_space<semaphore_mem>>) {add = true}
      %dma_start3A_109 = arith.constant 0 : i32
      %dma_start3A_110 = tpu.memref_slice %arg19[%dma_start3A_109] : memref<102400xf32, #tpu.memory_space<vmem_shared>> -> memref<102400xf32, #tpu.memory_space<vmem_shared>>
      tpu.enqueue_indirect_dma source(%arg29 : memref<5120xf32, #tpu.memory_space<vmem>>) target(%dma_start3A_110 : memref<102400xf32, #tpu.memory_space<vmem_shared>>) offsets(%arg20 : memref<5120xi32, #tpu.memory_space<vmem>>) semaphore(%arg33 : memref<!tpu.dma_semaphore, #tpu.memory_space<semaphore_mem>>) {add = true}
      %dma_start3A_111 = arith.constant 0 : i32
      %dma_start3A_112 = tpu.memref_slice %arg19[%dma_start3A_111] : memref<102400xf32, #tpu.memory_space<vmem_shared>> -> memref<102400xf32, #tpu.memory_space<vmem_shared>>
      tpu.enqueue_indirect_dma source(%arg30 : memref<5120xf32, #tpu.memory_space<vmem>>) target(%dma_start3A_112 : memref<102400xf32, #tpu.memory_space<vmem_shared>>) offsets(%arg21 : memref<5120xi32, #tpu.memory_space<vmem>>) semaphore(%arg33 : memref<!tpu.dma_semaphore, #tpu.memory_space<semaphore_mem>>) {add = true}
      %dma_wait3A_113 = arith.constant 0 : i32
      %dma_wait3A_114 = tpu.memref_slice %arg17[%dma_wait3A_113] : memref<102400xf32, #tpu.memory_space<vmem_shared>> -> memref<102400xf32, #tpu.memory_space<vmem_shared>>
      tpu.wait_indirect_dma semaphore(%arg33 : memref<!tpu.dma_semaphore, #tpu.memory_space<semaphore_mem>>) src(%arg27 : memref<5120xf32, #tpu.memory_space<vmem>>) dst(%dma_wait3A_114 : memref<102400xf32, #tpu.memory_space<vmem_shared>>)
      %dma_wait3A_115 = arith.constant 0 : i32
      %dma_wait3A_116 = tpu.memref_slice %arg17[%dma_wait3A_115] : memref<102400xf32, #tpu.memory_space<vmem_shared>> -> memref<102400xf32, #tpu.memory_space<vmem_shared>>
      tpu.wait_indirect_dma semaphore(%arg33 : memref<!tpu.dma_semaphore, #tpu.memory_space<semaphore_mem>>) src(%arg28 : memref<5120xf32, #tpu.memory_space<vmem>>) dst(%dma_wait3A_116 : memref<102400xf32, #tpu.memory_space<vmem_shared>>)
      %dma_wait3A_117 = arith.constant 0 : i32
      %dma_wait3A_118 = tpu.memref_slice %arg19[%dma_wait3A_117] : memref<102400xf32, #tpu.memory_space<vmem_shared>> -> memref<102400xf32, #tpu.memory_space<vmem_shared>>
      tpu.wait_indirect_dma semaphore(%arg33 : memref<!tpu.dma_semaphore, #tpu.memory_space<semaphore_mem>>) src(%arg29 : memref<5120xf32, #tpu.memory_space<vmem>>) dst(%dma_wait3A_118 : memref<102400xf32, #tpu.memory_space<vmem_shared>>)
      %dma_wait3A_119 = arith.constant 0 : i32
      %dma_wait3A_120 = tpu.memref_slice %arg19[%dma_wait3A_119] : memref<102400xf32, #tpu.memory_space<vmem_shared>> -> memref<102400xf32, #tpu.memory_space<vmem_shared>>
      tpu.wait_indirect_dma semaphore(%arg33 : memref<!tpu.dma_semaphore, #tpu.memory_space<semaphore_mem>>) src(%arg30 : memref<5120xf32, #tpu.memory_space<vmem>>) dst(%dma_wait3A_120 : memref<102400xf32, #tpu.memory_space<vmem_shared>>)
    }
    %while3A_36 = arith.constant 1 : i32
    scf.for %while3A_41 = %while3A_34 to %while3A_30 step %while3A_36  : i32 {
      %mul3A_42 = arith.constant 32 : i32
      %mul3A_43 = arith.muli %while3A_41, %mul3A_42 : i32
      %add3A_44 = arith.addi %add3A, %mul3A_43 : i32
      %mul3A_45 = arith.constant 5120 : i32
      %mul3A_46 = arith.muli %add3A_44, %mul3A_45 : i32
      "tpu.region"() ({
        %run_scoped3A_121 = tpu.sem_alloc : memref<!tpu.dma_semaphore, #tpu.memory_space<semaphore_mem>>
        %dma_start3A_122 = tpu.memref_slice %arg6[%mul3A_46] : memref<3200000xi32, #tpu.memory_space<hbm>> -> memref<5120xi32, #tpu.memory_space<hbm>>
        %dma_start3A_123 = tpu.memref_slice %arg6[%mul3A_46] : memref<3200000xi32, #tpu.memory_space<hbm>> -> memref<5120xi32, #tpu.memory_space<hbm>>
        tpu.enqueue_dma source(%dma_start3A_123 : memref<5120xi32, #tpu.memory_space<hbm>>) target(%arg20 : memref<5120xi32, #tpu.memory_space<vmem>>) target_semaphore(%run_scoped3A_121 : memref<!tpu.dma_semaphore, #tpu.memory_space<semaphore_mem>>)
        %dma_wait3A_124 = tpu.memref_slice %arg6[%mul3A_46] : memref<3200000xi32, #tpu.memory_space<hbm>> -> memref<5120xi32, #tpu.memory_space<hbm>>
        %dma_wait3A_125 = tpu.memref_slice %arg6[%mul3A_46] : memref<3200000xi32, #tpu.memory_space<hbm>> -> memref<5120xi32, #tpu.memory_space<hbm>>
        tpu.wait_dma2 semaphore(%run_scoped3A_121 : memref<!tpu.dma_semaphore, #tpu.memory_space<semaphore_mem>>) src(%dma_wait3A_125 : memref<5120xi32, #tpu.memory_space<hbm>>) dst(%arg20 : memref<5120xi32, #tpu.memory_space<vmem>>)
        tpu.yield
      }) : () -> ()
      "tpu.region"() ({
        %run_scoped3A_121 = tpu.sem_alloc : memref<!tpu.dma_semaphore, #tpu.memory_space<semaphore_mem>>
        %dma_start3A_122 = tpu.memref_slice %arg7[%mul3A_46] : memref<3200000xi32, #tpu.memory_space<hbm>> -> memref<5120xi32, #tpu.memory_space<hbm>>
        %dma_start3A_123 = tpu.memref_slice %arg7[%mul3A_46] : memref<3200000xi32, #tpu.memory_space<hbm>> -> memref<5120xi32, #tpu.memory_space<hbm>>
        tpu.enqueue_dma source(%dma_start3A_123 : memref<5120xi32, #tpu.memory_space<hbm>>) target(%arg21 : memref<5120xi32, #tpu.memory_space<vmem>>) target_semaphore(%run_scoped3A_121 : memref<!tpu.dma_semaphore, #tpu.memory_space<semaphore_mem>>)
        %dma_wait3A_124 = tpu.memref_slice %arg7[%mul3A_46] : memref<3200000xi32, #tpu.memory_space<hbm>> -> memref<5120xi32, #tpu.memory_space<hbm>>
        %dma_wait3A_125 = tpu.memref_slice %arg7[%mul3A_46] : memref<3200000xi32, #tpu.memory_space<hbm>> -> memref<5120xi32, #tpu.memory_space<hbm>>
        tpu.wait_dma2 semaphore(%run_scoped3A_121 : memref<!tpu.dma_semaphore, #tpu.memory_space<semaphore_mem>>) src(%dma_wait3A_125 : memref<5120xi32, #tpu.memory_space<hbm>>) dst(%arg21 : memref<5120xi32, #tpu.memory_space<vmem>>)
        tpu.yield
      }) : () -> ()
      %run_scoped3A_47 = arith.constant 0 : i32
      "tpu.region"() ({
        %run_scoped3A_121 = tpu.sem_alloc : memref<!tpu.dma_semaphore, #tpu.memory_space<semaphore_mem>>
        %dma_start3A_122 = arith.constant 0 : i32
        %dma_start3A_123 = arith.constant 0 : i32
        %dma_start3A_124 = tpu.memref_slice %arg22[%run_scoped3A_47, %dma_start3A_122, %dma_start3A_123] : memref<2x2x5120xf32, #tpu.memory_space<vmem>> -> memref<1x2x5120xf32, #tpu.memory_space<vmem>>
        %dma_start3A_125 = tpu.memref_squeeze %dma_start3A_124 : memref<1x2x5120xf32, #tpu.memory_space<vmem>> -> memref<2x5120xf32, #tpu.memory_space<vmem>>
        %dma_start3A_126 = arith.constant 0 : i32
        %dma_start3A_127 = tpu.memref_slice %arg8[%dma_start3A_126, %mul3A_46] : memref<2x3200000xf32, #tpu.memory_space<hbm>> -> memref<2x5120xf32, #tpu.memory_space<hbm>>
        %dma_start3A_128 = arith.constant 0 : i32
        %dma_start3A_129 = arith.constant 0 : i32
        %dma_start3A_130 = tpu.memref_slice %arg22[%run_scoped3A_47, %dma_start3A_128, %dma_start3A_129] : memref<2x2x5120xf32, #tpu.memory_space<vmem>> -> memref<1x2x5120xf32, #tpu.memory_space<vmem>>
        %dma_start3A_131 = tpu.memref_squeeze %dma_start3A_130 : memref<1x2x5120xf32, #tpu.memory_space<vmem>> -> memref<2x5120xf32, #tpu.memory_space<vmem>>
        %dma_start3A_132 = arith.constant 0 : i32
        %dma_start3A_133 = tpu.memref_slice %arg8[%dma_start3A_132, %mul3A_46] : memref<2x3200000xf32, #tpu.memory_space<hbm>> -> memref<2x5120xf32, #tpu.memory_space<hbm>>
        tpu.enqueue_dma source(%dma_start3A_133 : memref<2x5120xf32, #tpu.memory_space<hbm>>) target(%dma_start3A_131 : memref<2x5120xf32, #tpu.memory_space<vmem>>) target_semaphore(%run_scoped3A_121 : memref<!tpu.dma_semaphore, #tpu.memory_space<semaphore_mem>>)
        %dma_wait3A_134 = arith.constant 0 : i32
        %dma_wait3A_135 = arith.constant 0 : i32
        %dma_wait3A_136 = tpu.memref_slice %arg22[%run_scoped3A_47, %dma_wait3A_134, %dma_wait3A_135] : memref<2x2x5120xf32, #tpu.memory_space<vmem>> -> memref<1x2x5120xf32, #tpu.memory_space<vmem>>
        %dma_wait3A_137 = tpu.memref_squeeze %dma_wait3A_136 : memref<1x2x5120xf32, #tpu.memory_space<vmem>> -> memref<2x5120xf32, #tpu.memory_space<vmem>>
        %dma_wait3A_138 = arith.constant 0 : i32
        %dma_wait3A_139 = tpu.memref_slice %arg8[%dma_wait3A_138, %mul3A_46] : memref<2x3200000xf32, #tpu.memory_space<hbm>> -> memref<2x5120xf32, #tpu.memory_space<hbm>>
        %dma_wait3A_140 = arith.constant 0 : i32
        %dma_wait3A_141 = arith.constant 0 : i32
        %dma_wait3A_142 = tpu.memref_slice %arg22[%run_scoped3A_47, %dma_wait3A_140, %dma_wait3A_141] : memref<2x2x5120xf32, #tpu.memory_space<vmem>> -> memref<1x2x5120xf32, #tpu.memory_space<vmem>>
        %dma_wait3A_143 = tpu.memref_squeeze %dma_wait3A_142 : memref<1x2x5120xf32, #tpu.memory_space<vmem>> -> memref<2x5120xf32, #tpu.memory_space<vmem>>
        %dma_wait3A_144 = arith.constant 0 : i32
        %dma_wait3A_145 = tpu.memref_slice %arg8[%dma_wait3A_144, %mul3A_46] : memref<2x3200000xf32, #tpu.memory_space<hbm>> -> memref<2x5120xf32, #tpu.memory_space<hbm>>
        tpu.wait_dma2 semaphore(%run_scoped3A_121 : memref<!tpu.dma_semaphore, #tpu.memory_space<semaphore_mem>>) src(%dma_wait3A_145 : memref<2x5120xf32, #tpu.memory_space<hbm>>) dst(%dma_wait3A_143 : memref<2x5120xf32, #tpu.memory_space<vmem>>)
        tpu.yield
      }) : () -> ()
      %run_scoped3A_48 = arith.constant 1 : i32
      "tpu.region"() ({
        %run_scoped3A_121 = tpu.sem_alloc : memref<!tpu.dma_semaphore, #tpu.memory_space<semaphore_mem>>
        %dma_start3A_122 = arith.constant 0 : i32
        %dma_start3A_123 = arith.constant 0 : i32
        %dma_start3A_124 = tpu.memref_slice %arg22[%run_scoped3A_48, %dma_start3A_122, %dma_start3A_123] : memref<2x2x5120xf32, #tpu.memory_space<vmem>> -> memref<1x2x5120xf32, #tpu.memory_space<vmem>>
        %dma_start3A_125 = tpu.memref_squeeze %dma_start3A_124 : memref<1x2x5120xf32, #tpu.memory_space<vmem>> -> memref<2x5120xf32, #tpu.memory_space<vmem>>
        %dma_start3A_126 = arith.constant 0 : i32
        %dma_start3A_127 = tpu.memref_slice %arg9[%dma_start3A_126, %mul3A_46] : memref<2x3200000xf32, #tpu.memory_space<hbm>> -> memref<2x5120xf32, #tpu.memory_space<hbm>>
        %dma_start3A_128 = arith.constant 0 : i32
        %dma_start3A_129 = arith.constant 0 : i32
        %dma_start3A_130 = tpu.memref_slice %arg22[%run_scoped3A_48, %dma_start3A_128, %dma_start3A_129] : memref<2x2x5120xf32, #tpu.memory_space<vmem>> -> memref<1x2x5120xf32, #tpu.memory_space<vmem>>
        %dma_start3A_131 = tpu.memref_squeeze %dma_start3A_130 : memref<1x2x5120xf32, #tpu.memory_space<vmem>> -> memref<2x5120xf32, #tpu.memory_space<vmem>>
        %dma_start3A_132 = arith.constant 0 : i32
        %dma_start3A_133 = tpu.memref_slice %arg9[%dma_start3A_132, %mul3A_46] : memref<2x3200000xf32, #tpu.memory_space<hbm>> -> memref<2x5120xf32, #tpu.memory_space<hbm>>
        tpu.enqueue_dma source(%dma_start3A_133 : memref<2x5120xf32, #tpu.memory_space<hbm>>) target(%dma_start3A_131 : memref<2x5120xf32, #tpu.memory_space<vmem>>) target_semaphore(%run_scoped3A_121 : memref<!tpu.dma_semaphore, #tpu.memory_space<semaphore_mem>>)
        %dma_wait3A_134 = arith.constant 0 : i32
        %dma_wait3A_135 = arith.constant 0 : i32
        %dma_wait3A_136 = tpu.memref_slice %arg22[%run_scoped3A_48, %dma_wait3A_134, %dma_wait3A_135] : memref<2x2x5120xf32, #tpu.memory_space<vmem>> -> memref<1x2x5120xf32, #tpu.memory_space<vmem>>
        %dma_wait3A_137 = tpu.memref_squeeze %dma_wait3A_136 : memref<1x2x5120xf32, #tpu.memory_space<vmem>> -> memref<2x5120xf32, #tpu.memory_space<vmem>>
        %dma_wait3A_138 = arith.constant 0 : i32
        %dma_wait3A_139 = tpu.memref_slice %arg9[%dma_wait3A_138, %mul3A_46] : memref<2x3200000xf32, #tpu.memory_space<hbm>> -> memref<2x5120xf32, #tpu.memory_space<hbm>>
        %dma_wait3A_140 = arith.constant 0 : i32
        %dma_wait3A_141 = arith.constant 0 : i32
        %dma_wait3A_142 = tpu.memref_slice %arg22[%run_scoped3A_48, %dma_wait3A_140, %dma_wait3A_141] : memref<2x2x5120xf32, #tpu.memory_space<vmem>> -> memref<1x2x5120xf32, #tpu.memory_space<vmem>>
        %dma_wait3A_143 = tpu.memref_squeeze %dma_wait3A_142 : memref<1x2x5120xf32, #tpu.memory_space<vmem>> -> memref<2x5120xf32, #tpu.memory_space<vmem>>
        %dma_wait3A_144 = arith.constant 0 : i32
        %dma_wait3A_145 = tpu.memref_slice %arg9[%dma_wait3A_144, %mul3A_46] : memref<2x3200000xf32, #tpu.memory_space<hbm>> -> memref<2x5120xf32, #tpu.memory_space<hbm>>
        tpu.wait_dma2 semaphore(%run_scoped3A_121 : memref<!tpu.dma_semaphore, #tpu.memory_space<semaphore_mem>>) src(%dma_wait3A_145 : memref<2x5120xf32, #tpu.memory_space<hbm>>) dst(%dma_wait3A_143 : memref<2x5120xf32, #tpu.memory_space<vmem>>)
        tpu.yield
      }) : () -> ()
      %dma_start3A = arith.constant 0 : i32
      %dma_start3A_49 = tpu.memref_slice %arg12[%dma_start3A] : memref<102400xf32, #tpu.memory_space<vmem_shared>> -> memref<102400xf32, #tpu.memory_space<vmem_shared>>
      tpu.enqueue_indirect_dma source(%dma_start3A_49 : memref<102400xf32, #tpu.memory_space<vmem_shared>>) target(%arg23 : memref<5120xf32, #tpu.memory_space<vmem>>) offsets(%arg20 : memref<5120xi32, #tpu.memory_space<vmem>>) semaphore(%arg32 : memref<!tpu.dma_semaphore, #tpu.memory_space<semaphore_mem>>)
      %dma_start3A_50 = arith.constant 0 : i32
      %dma_start3A_51 = tpu.memref_slice %arg12[%dma_start3A_50] : memref<102400xf32, #tpu.memory_space<vmem_shared>> -> memref<102400xf32, #tpu.memory_space<vmem_shared>>
      tpu.enqueue_indirect_dma source(%dma_start3A_51 : memref<102400xf32, #tpu.memory_space<vmem_shared>>) target(%arg24 : memref<5120xf32, #tpu.memory_space<vmem>>) offsets(%arg21 : memref<5120xi32, #tpu.memory_space<vmem>>) semaphore(%arg32 : memref<!tpu.dma_semaphore, #tpu.memory_space<semaphore_mem>>)
      %dma_start3A_52 = arith.constant 0 : i32
      %dma_start3A_53 = tpu.memref_slice %arg14[%dma_start3A_52] : memref<102400xf32, #tpu.memory_space<vmem_shared>> -> memref<102400xf32, #tpu.memory_space<vmem_shared>>
      tpu.enqueue_indirect_dma source(%dma_start3A_53 : memref<102400xf32, #tpu.memory_space<vmem_shared>>) target(%arg25 : memref<5120xf32, #tpu.memory_space<vmem>>) offsets(%arg20 : memref<5120xi32, #tpu.memory_space<vmem>>) semaphore(%arg32 : memref<!tpu.dma_semaphore, #tpu.memory_space<semaphore_mem>>)
      %dma_start3A_54 = arith.constant 0 : i32
      %dma_start3A_55 = tpu.memref_slice %arg14[%dma_start3A_54] : memref<102400xf32, #tpu.memory_space<vmem_shared>> -> memref<102400xf32, #tpu.memory_space<vmem_shared>>
      tpu.enqueue_indirect_dma source(%dma_start3A_55 : memref<102400xf32, #tpu.memory_space<vmem_shared>>) target(%arg26 : memref<5120xf32, #tpu.memory_space<vmem>>) offsets(%arg21 : memref<5120xi32, #tpu.memory_space<vmem>>) semaphore(%arg32 : memref<!tpu.dma_semaphore, #tpu.memory_space<semaphore_mem>>)
      %dma_wait3A = arith.constant 0 : i32
      %dma_wait3A_56 = tpu.memref_slice %arg12[%dma_wait3A] : memref<102400xf32, #tpu.memory_space<vmem_shared>> -> memref<102400xf32, #tpu.memory_space<vmem_shared>>
      tpu.wait_indirect_dma semaphore(%arg32 : memref<!tpu.dma_semaphore, #tpu.memory_space<semaphore_mem>>) src(%dma_wait3A_56 : memref<102400xf32, #tpu.memory_space<vmem_shared>>) dst(%arg23 : memref<5120xf32, #tpu.memory_space<vmem>>)
      %dma_wait3A_57 = arith.constant 0 : i32
      %dma_wait3A_58 = tpu.memref_slice %arg12[%dma_wait3A_57] : memref<102400xf32, #tpu.memory_space<vmem_shared>> -> memref<102400xf32, #tpu.memory_space<vmem_shared>>
      tpu.wait_indirect_dma semaphore(%arg32 : memref<!tpu.dma_semaphore, #tpu.memory_space<semaphore_mem>>) src(%dma_wait3A_58 : memref<102400xf32, #tpu.memory_space<vmem_shared>>) dst(%arg24 : memref<5120xf32, #tpu.memory_space<vmem>>)
      %dma_wait3A_59 = arith.constant 0 : i32
      %dma_wait3A_60 = tpu.memref_slice %arg14[%dma_wait3A_59] : memref<102400xf32, #tpu.memory_space<vmem_shared>> -> memref<102400xf32, #tpu.memory_space<vmem_shared>>
      tpu.wait_indirect_dma semaphore(%arg32 : memref<!tpu.dma_semaphore, #tpu.memory_space<semaphore_mem>>) src(%dma_wait3A_60 : memref<102400xf32, #tpu.memory_space<vmem_shared>>) dst(%arg25 : memref<5120xf32, #tpu.memory_space<vmem>>)
      %dma_wait3A_61 = arith.constant 0 : i32
      %dma_wait3A_62 = tpu.memref_slice %arg14[%dma_wait3A_61] : memref<102400xf32, #tpu.memory_space<vmem_shared>> -> memref<102400xf32, #tpu.memory_space<vmem_shared>>
      tpu.wait_indirect_dma semaphore(%arg32 : memref<!tpu.dma_semaphore, #tpu.memory_space<semaphore_mem>>) src(%dma_wait3A_62 : memref<102400xf32, #tpu.memory_space<vmem_shared>>) dst(%arg26 : memref<5120xf32, #tpu.memory_space<vmem>>)
      %scan3A_63 = arith.constant 0 : i32
      %scan3A_64 = arith.constant 320 : i32
      %scan3A_65 = arith.addi %scan3A_63, %scan3A_64 : i32
      %scan3A_66 = arith.constant 1 : i32
      scf.for %scan3A_121 = %scan3A_63 to %scan3A_65 step %scan3A_66  : i32 {
        %mul3A_122 = arith.constant 16 : i32
        %mul3A_123 = arith.muli %scan3A_121, %mul3A_122 : i32
        %get3A = arith.index_cast %mul3A_123 : i32 to index
        %get3A_124 = tpu.vector_load %arg23[%get3A] {strides = array<i32>} : memref<5120xf32, #tpu.memory_space<vmem>>, vector<16xf32>,
        %get3A_125 = vector.shape_cast %get3A_124 : vector<16xf32> to vector<16xf32>
        %get3A_126 = arith.index_cast %mul3A_123 : i32 to index
        %get3A_127 = tpu.vector_load %arg24[%get3A_126] {strides = array<i32>} : memref<5120xf32, #tpu.memory_space<vmem>>, vector<16xf32>,
        %get3A_128 = vector.shape_cast %get3A_127 : vector<16xf32> to vector<16xf32>
        %get3A_129 = arith.index_cast %mul3A_123 : i32 to index
        %get3A_130 = tpu.vector_load %arg25[%get3A_129] {strides = array<i32>} : memref<5120xf32, #tpu.memory_space<vmem>>, vector<16xf32>,
        %get3A_131 = vector.shape_cast %get3A_130 : vector<16xf32> to vector<16xf32>
        %get3A_132 = arith.index_cast %mul3A_123 : i32 to index
        %get3A_133 = tpu.vector_load %arg26[%get3A_132] {strides = array<i32>} : memref<5120xf32, #tpu.memory_space<vmem>>, vector<16xf32>,
        %get3A_134 = vector.shape_cast %get3A_133 : vector<16xf32> to vector<16xf32>
        %mul3A_135 = arith.mulf %get3A_125, %get3A_128 : vector<16xf32>
        %mul3A_136 = arith.mulf %get3A_131, %get3A_134 : vector<16xf32>
        %add3A_137 = arith.addf %mul3A_135, %mul3A_136 : vector<16xf32>
        %mul3A_138 = arith.mulf %get3A_131, %get3A_128 : vector<16xf32>
        %mul3A_139 = arith.mulf %get3A_125, %get3A_134 : vector<16xf32>
        %sub3A_140 = arith.subf %mul3A_138, %mul3A_139 : vector<16xf32>
        %get3A_141 = arith.constant 0 : i32
        %get3A_142 = arith.constant 0 : i32
        %get3A_143 = arith.index_cast %get3A_141 : i32 to index
        %get3A_144 = arith.index_cast %get3A_142 : i32 to index
        %get3A_145 = arith.index_cast %mul3A_123 : i32 to index
        %get3A_146 = tpu.vector_load %arg22[%get3A_143, %get3A_144, %get3A_145] {strides = array<i32>} : memref<2x2x5120xf32, #tpu.memory_space<vmem>>, vector<1x1x16xf32>,
        %get3A_147 = vector.shape_cast %get3A_146 : vector<1x1x16xf32> to vector<16xf32>
        %get3A_148 = arith.constant 1 : i32
        %get3A_149 = arith.constant 0 : i32
        %get3A_150 = arith.index_cast %get3A_148 : i32 to index
        %get3A_151 = arith.index_cast %get3A_149 : i32 to index
        %get3A_152 = arith.index_cast %mul3A_123 : i32 to index
        %get3A_153 = tpu.vector_load %arg22[%get3A_150, %get3A_151, %get3A_152] {strides = array<i32>} : memref<2x2x5120xf32, #tpu.memory_space<vmem>>, vector<1x1x16xf32>,
        %get3A_154 = vector.shape_cast %get3A_153 : vector<1x1x16xf32> to vector<16xf32>
        %mul3A_155 = arith.mulf %get3A_147, %add3A_137 : vector<16xf32>
        %mul3A_156 = arith.mulf %get3A_154, %sub3A_140 : vector<16xf32>
        %add3A_157 = arith.addf %mul3A_155, %mul3A_156 : vector<16xf32>
        %mul3A_158 = arith.mulf %get3A_147, %sub3A_140 : vector<16xf32>
        %mul3A_159 = arith.mulf %get3A_154, %add3A_137 : vector<16xf32>
        %sub3A_160 = arith.subf %mul3A_158, %mul3A_159 : vector<16xf32>
        %swap3A = arith.index_cast %mul3A_123 : i32 to index
        %swap3A_161 = tpu.vector_load %arg27[%swap3A] {strides = array<i32>} : memref<5120xf32, #tpu.memory_space<vmem>>, vector<16xf32>,
        %swap3A_162 = vector.shape_cast %swap3A_161 : vector<16xf32> to vector<16xf32>
        %swap3A_163 = vector.shape_cast %add3A_157 : vector<16xf32> to vector<16xf32>
        tpu.vector_store %arg27[%swap3A], %swap3A_163 {strides = array<i32>} : memref<5120xf32, #tpu.memory_space<vmem>>, vector<16xf32>,
        %neg3A = arith.constant 0.000000e+00 : f32
        %neg3A_164 = vector.broadcast %neg3A : f32 to vector<16xf32>
        %neg3A_165 = arith.subf %neg3A_164, %add3A_157 : vector<16xf32>
        %swap3A_166 = arith.index_cast %mul3A_123 : i32 to index
        %swap3A_167 = tpu.vector_load %arg28[%swap3A_166] {strides = array<i32>} : memref<5120xf32, #tpu.memory_space<vmem>>, vector<16xf32>,
        %swap3A_168 = vector.shape_cast %swap3A_167 : vector<16xf32> to vector<16xf32>
        %swap3A_169 = vector.shape_cast %neg3A_165 : vector<16xf32> to vector<16xf32>
        tpu.vector_store %arg28[%swap3A_166], %swap3A_169 {strides = array<i32>} : memref<5120xf32, #tpu.memory_space<vmem>>, vector<16xf32>,
        %swap3A_170 = arith.index_cast %mul3A_123 : i32 to index
        %swap3A_171 = tpu.vector_load %arg29[%swap3A_170] {strides = array<i32>} : memref<5120xf32, #tpu.memory_space<vmem>>, vector<16xf32>,
        %swap3A_172 = vector.shape_cast %swap3A_171 : vector<16xf32> to vector<16xf32>
        %swap3A_173 = vector.shape_cast %sub3A_160 : vector<16xf32> to vector<16xf32>
        tpu.vector_store %arg29[%swap3A_170], %swap3A_173 {strides = array<i32>} : memref<5120xf32, #tpu.memory_space<vmem>>, vector<16xf32>,
        %neg3A_174 = arith.constant 0.000000e+00 : f32
        %neg3A_175 = vector.broadcast %neg3A_174 : f32 to vector<16xf32>
        %neg3A_176 = arith.subf %neg3A_175, %sub3A_160 : vector<16xf32>
        %swap3A_177 = arith.index_cast %mul3A_123 : i32 to index
        %swap3A_178 = tpu.vector_load %arg30[%swap3A_177] {strides = array<i32>} : memref<5120xf32, #tpu.memory_space<vmem>>, vector<16xf32>,
        %swap3A_179 = vector.shape_cast %swap3A_178 : vector<16xf32> to vector<16xf32>
        %swap3A_180 = vector.shape_cast %neg3A_176 : vector<16xf32> to vector<16xf32>
        tpu.vector_store %arg30[%swap3A_177], %swap3A_180 {strides = array<i32>} : memref<5120xf32, #tpu.memory_space<vmem>>, vector<16xf32>,
      }
      %scan3A_67 = arith.constant 320 : i32
      %dma_start3A_68 = arith.constant 0 : i32
      %dma_start3A_69 = tpu.memref_slice %arg16[%dma_start3A_68] : memref<102400xf32, #tpu.memory_space<vmem_shared>> -> memref<102400xf32, #tpu.memory_space<vmem_shared>>
      tpu.enqueue_indirect_dma source(%arg27 : memref<5120xf32, #tpu.memory_space<vmem>>) target(%dma_start3A_69 : memref<102400xf32, #tpu.memory_space<vmem_shared>>) offsets(%arg20 : memref<5120xi32, #tpu.memory_space<vmem>>) semaphore(%arg33 : memref<!tpu.dma_semaphore, #tpu.memory_space<semaphore_mem>>) {add = true}
      %dma_start3A_70 = arith.constant 0 : i32
      %dma_start3A_71 = tpu.memref_slice %arg16[%dma_start3A_70] : memref<102400xf32, #tpu.memory_space<vmem_shared>> -> memref<102400xf32, #tpu.memory_space<vmem_shared>>
      tpu.enqueue_indirect_dma source(%arg28 : memref<5120xf32, #tpu.memory_space<vmem>>) target(%dma_start3A_71 : memref<102400xf32, #tpu.memory_space<vmem_shared>>) offsets(%arg21 : memref<5120xi32, #tpu.memory_space<vmem>>) semaphore(%arg33 : memref<!tpu.dma_semaphore, #tpu.memory_space<semaphore_mem>>) {add = true}
      %dma_start3A_72 = arith.constant 0 : i32
      %dma_start3A_73 = tpu.memref_slice %arg18[%dma_start3A_72] : memref<102400xf32, #tpu.memory_space<vmem_shared>> -> memref<102400xf32, #tpu.memory_space<vmem_shared>>
      tpu.enqueue_indirect_dma source(%arg29 : memref<5120xf32, #tpu.memory_space<vmem>>) target(%dma_start3A_73 : memref<102400xf32, #tpu.memory_space<vmem_shared>>) offsets(%arg20 : memref<5120xi32, #tpu.memory_space<vmem>>) semaphore(%arg33 : memref<!tpu.dma_semaphore, #tpu.memory_space<semaphore_mem>>) {add = true}
      %dma_start3A_74 = arith.constant 0 : i32
      %dma_start3A_75 = tpu.memref_slice %arg18[%dma_start3A_74] : memref<102400xf32, #tpu.memory_space<vmem_shared>> -> memref<102400xf32, #tpu.memory_space<vmem_shared>>
      tpu.enqueue_indirect_dma source(%arg30 : memref<5120xf32, #tpu.memory_space<vmem>>) target(%dma_start3A_75 : memref<102400xf32, #tpu.memory_space<vmem_shared>>) offsets(%arg21 : memref<5120xi32, #tpu.memory_space<vmem>>) semaphore(%arg33 : memref<!tpu.dma_semaphore, #tpu.memory_space<semaphore_mem>>) {add = true}
      %dma_start3A_76 = arith.constant 0 : i32
      %dma_start3A_77 = tpu.memref_slice %arg13[%dma_start3A_76] : memref<102400xf32, #tpu.memory_space<vmem_shared>> -> memref<102400xf32, #tpu.memory_space<vmem_shared>>
      tpu.enqueue_indirect_dma source(%dma_start3A_77 : memref<102400xf32, #tpu.memory_space<vmem_shared>>) target(%arg23 : memref<5120xf32, #tpu.memory_space<vmem>>) offsets(%arg20 : memref<5120xi32, #tpu.memory_space<vmem>>) semaphore(%arg32 : memref<!tpu.dma_semaphore, #tpu.memory_space<semaphore_mem>>)
      %dma_start3A_78 = arith.constant 0 : i32
      %dma_start3A_79 = tpu.memref_slice %arg13[%dma_start3A_78] : memref<102400xf32, #tpu.memory_space<vmem_shared>> -> memref<102400xf32, #tpu.memory_space<vmem_shared>>
      tpu.enqueue_indirect_dma source(%dma_start3A_79 : memref<102400xf32, #tpu.memory_space<vmem_shared>>) target(%arg24 : memref<5120xf32, #tpu.memory_space<vmem>>) offsets(%arg21 : memref<5120xi32, #tpu.memory_space<vmem>>) semaphore(%arg32 : memref<!tpu.dma_semaphore, #tpu.memory_space<semaphore_mem>>)
      %dma_start3A_80 = arith.constant 0 : i32
      %dma_start3A_81 = tpu.memref_slice %arg15[%dma_start3A_80] : memref<102400xf32, #tpu.memory_space<vmem_shared>> -> memref<102400xf32, #tpu.memory_space<vmem_shared>>
      tpu.enqueue_indirect_dma source(%dma_start3A_81 : memref<102400xf32, #tpu.memory_space<vmem_shared>>) target(%arg25 : memref<5120xf32, #tpu.memory_space<vmem>>) offsets(%arg20 : memref<5120xi32, #tpu.memory_space<vmem>>) semaphore(%arg32 : memref<!tpu.dma_semaphore, #tpu.memory_space<semaphore_mem>>)
      %dma_start3A_82 = arith.constant 0 : i32
      %dma_start3A_83 = tpu.memref_slice %arg15[%dma_start3A_82] : memref<102400xf32, #tpu.memory_space<vmem_shared>> -> memref<102400xf32, #tpu.memory_space<vmem_shared>>
      tpu.enqueue_indirect_dma source(%dma_start3A_83 : memref<102400xf32, #tpu.memory_space<vmem_shared>>) target(%arg26 : memref<5120xf32, #tpu.memory_space<vmem>>) offsets(%arg21 : memref<5120xi32, #tpu.memory_space<vmem>>) semaphore(%arg32 : memref<!tpu.dma_semaphore, #tpu.memory_space<semaphore_mem>>)
      %dma_wait3A_84 = arith.constant 0 : i32
      %dma_wait3A_85 = tpu.memref_slice %arg13[%dma_wait3A_84] : memref<102400xf32, #tpu.memory_space<vmem_shared>> -> memref<102400xf32, #tpu.memory_space<vmem_shared>>
      tpu.wait_indirect_dma semaphore(%arg32 : memref<!tpu.dma_semaphore, #tpu.memory_space<semaphore_mem>>) src(%dma_wait3A_85 : memref<102400xf32, #tpu.memory_space<vmem_shared>>) dst(%arg23 : memref<5120xf32, #tpu.memory_space<vmem>>)
      %dma_wait3A_86 = arith.constant 0 : i32
      %dma_wait3A_87 = tpu.memref_slice %arg13[%dma_wait3A_86] : memref<102400xf32, #tpu.memory_space<vmem_shared>> -> memref<102400xf32, #tpu.memory_space<vmem_shared>>
      tpu.wait_indirect_dma semaphore(%arg32 : memref<!tpu.dma_semaphore, #tpu.memory_space<semaphore_mem>>) src(%dma_wait3A_87 : memref<102400xf32, #tpu.memory_space<vmem_shared>>) dst(%arg24 : memref<5120xf32, #tpu.memory_space<vmem>>)
      %dma_wait3A_88 = arith.constant 0 : i32
      %dma_wait3A_89 = tpu.memref_slice %arg15[%dma_wait3A_88] : memref<102400xf32, #tpu.memory_space<vmem_shared>> -> memref<102400xf32, #tpu.memory_space<vmem_shared>>
      tpu.wait_indirect_dma semaphore(%arg32 : memref<!tpu.dma_semaphore, #tpu.memory_space<semaphore_mem>>) src(%dma_wait3A_89 : memref<102400xf32, #tpu.memory_space<vmem_shared>>) dst(%arg25 : memref<5120xf32, #tpu.memory_space<vmem>>)
      %dma_wait3A_90 = arith.constant 0 : i32
      %dma_wait3A_91 = tpu.memref_slice %arg15[%dma_wait3A_90] : memref<102400xf32, #tpu.memory_space<vmem_shared>> -> memref<102400xf32, #tpu.memory_space<vmem_shared>>
      tpu.wait_indirect_dma semaphore(%arg32 : memref<!tpu.dma_semaphore, #tpu.memory_space<semaphore_mem>>) src(%dma_wait3A_91 : memref<102400xf32, #tpu.memory_space<vmem_shared>>) dst(%arg26 : memref<5120xf32, #tpu.memory_space<vmem>>)
      %dma_wait3A_92 = arith.constant 0 : i32
      %dma_wait3A_93 = tpu.memref_slice %arg16[%dma_wait3A_92] : memref<102400xf32, #tpu.memory_space<vmem_shared>> -> memref<102400xf32, #tpu.memory_space<vmem_shared>>
      tpu.wait_indirect_dma semaphore(%arg33 : memref<!tpu.dma_semaphore, #tpu.memory_space<semaphore_mem>>) src(%arg27 : memref<5120xf32, #tpu.memory_space<vmem>>) dst(%dma_wait3A_93 : memref<102400xf32, #tpu.memory_space<vmem_shared>>)
      %dma_wait3A_94 = arith.constant 0 : i32
      %dma_wait3A_95 = tpu.memref_slice %arg16[%dma_wait3A_94] : memref<102400xf32, #tpu.memory_space<vmem_shared>> -> memref<102400xf32, #tpu.memory_space<vmem_shared>>
      tpu.wait_indirect_dma semaphore(%arg33 : memref<!tpu.dma_semaphore, #tpu.memory_space<semaphore_mem>>) src(%arg28 : memref<5120xf32, #tpu.memory_space<vmem>>) dst(%dma_wait3A_95 : memref<102400xf32, #tpu.memory_space<vmem_shared>>)
      %dma_wait3A_96 = arith.constant 0 : i32
      %dma_wait3A_97 = tpu.memref_slice %arg18[%dma_wait3A_96] : memref<102400xf32, #tpu.memory_space<vmem_shared>> -> memref<102400xf32, #tpu.memory_space<vmem_shared>>
      tpu.wait_indirect_dma semaphore(%arg33 : memref<!tpu.dma_semaphore, #tpu.memory_space<semaphore_mem>>) src(%arg29 : memref<5120xf32, #tpu.memory_space<vmem>>) dst(%dma_wait3A_97 : memref<102400xf32, #tpu.memory_space<vmem_shared>>)
      %dma_wait3A_98 = arith.constant 0 : i32
      %dma_wait3A_99 = tpu.memref_slice %arg18[%dma_wait3A_98] : memref<102400xf32, #tpu.memory_space<vmem_shared>> -> memref<102400xf32, #tpu.memory_space<vmem_shared>>
      tpu.wait_indirect_dma semaphore(%arg33 : memref<!tpu.dma_semaphore, #tpu.memory_space<semaphore_mem>>) src(%arg30 : memref<5120xf32, #tpu.memory_space<vmem>>) dst(%dma_wait3A_99 : memref<102400xf32, #tpu.memory_space<vmem_shared>>)
      %scan3A_100 = arith.constant 0 : i32
      %scan3A_101 = arith.constant 320 : i32
      %scan3A_102 = arith.addi %scan3A_100, %scan3A_101 : i32
      %scan3A_103 = arith.constant 1 : i32
      scf.for %scan3A_121 = %scan3A_100 to %scan3A_102 step %scan3A_103  : i32 {
        %mul3A_122 = arith.constant 16 : i32
        %mul3A_123 = arith.muli %scan3A_121, %mul3A_122 : i32
        %get3A = arith.index_cast %mul3A_123 : i32 to index
        %get3A_124 = tpu.vector_load %arg23[%get3A] {strides = array<i32>} : memref<5120xf32, #tpu.memory_space<vmem>>, vector<16xf32>,
        %get3A_125 = vector.shape_cast %get3A_124 : vector<16xf32> to vector<16xf32>
        %get3A_126 = arith.index_cast %mul3A_123 : i32 to index
        %get3A_127 = tpu.vector_load %arg24[%get3A_126] {strides = array<i32>} : memref<5120xf32, #tpu.memory_space<vmem>>, vector<16xf32>,
        %get3A_128 = vector.shape_cast %get3A_127 : vector<16xf32> to vector<16xf32>
        %get3A_129 = arith.index_cast %mul3A_123 : i32 to index
        %get3A_130 = tpu.vector_load %arg25[%get3A_129] {strides = array<i32>} : memref<5120xf32, #tpu.memory_space<vmem>>, vector<16xf32>,
        %get3A_131 = vector.shape_cast %get3A_130 : vector<16xf32> to vector<16xf32>
        %get3A_132 = arith.index_cast %mul3A_123 : i32 to index
        %get3A_133 = tpu.vector_load %arg26[%get3A_132] {strides = array<i32>} : memref<5120xf32, #tpu.memory_space<vmem>>, vector<16xf32>,
        %get3A_134 = vector.shape_cast %get3A_133 : vector<16xf32> to vector<16xf32>
        %mul3A_135 = arith.mulf %get3A_125, %get3A_128 : vector<16xf32>
        %mul3A_136 = arith.mulf %get3A_131, %get3A_134 : vector<16xf32>
        %add3A_137 = arith.addf %mul3A_135, %mul3A_136 : vector<16xf32>
        %mul3A_138 = arith.mulf %get3A_131, %get3A_128 : vector<16xf32>
        %mul3A_139 = arith.mulf %get3A_125, %get3A_134 : vector<16xf32>
        %sub3A_140 = arith.subf %mul3A_138, %mul3A_139 : vector<16xf32>
        %get3A_141 = arith.constant 0 : i32
        %get3A_142 = arith.constant 1 : i32
        %get3A_143 = arith.index_cast %get3A_141 : i32 to index
        %get3A_144 = arith.index_cast %get3A_142 : i32 to index
        %get3A_145 = arith.index_cast %mul3A_123 : i32 to index
        %get3A_146 = tpu.vector_load %arg22[%get3A_143, %get3A_144, %get3A_145] {strides = array<i32>} : memref<2x2x5120xf32, #tpu.memory_space<vmem>>, vector<1x1x16xf32>,
        %get3A_147 = vector.shape_cast %get3A_146 : vector<1x1x16xf32> to vector<16xf32>
        %get3A_148 = arith.constant 1 : i32
        %get3A_149 = arith.constant 1 : i32
        %get3A_150 = arith.index_cast %get3A_148 : i32 to index
        %get3A_151 = arith.index_cast %get3A_149 : i32 to index
        %get3A_152 = arith.index_cast %mul3A_123 : i32 to index
        %get3A_153 = tpu.vector_load %arg22[%get3A_150, %get3A_151, %get3A_152] {strides = array<i32>} : memref<2x2x5120xf32, #tpu.memory_space<vmem>>, vector<1x1x16xf32>,
        %get3A_154 = vector.shape_cast %get3A_153 : vector<1x1x16xf32> to vector<16xf32>
        %mul3A_155 = arith.mulf %get3A_147, %add3A_137 : vector<16xf32>
        %mul3A_156 = arith.mulf %get3A_154, %sub3A_140 : vector<16xf32>
        %add3A_157 = arith.addf %mul3A_155, %mul3A_156 : vector<16xf32>
        %mul3A_158 = arith.mulf %get3A_147, %sub3A_140 : vector<16xf32>
        %mul3A_159 = arith.mulf %get3A_154, %add3A_137 : vector<16xf32>
        %sub3A_160 = arith.subf %mul3A_158, %mul3A_159 : vector<16xf32>
        %swap3A = arith.index_cast %mul3A_123 : i32 to index
        %swap3A_161 = tpu.vector_load %arg27[%swap3A] {strides = array<i32>} : memref<5120xf32, #tpu.memory_space<vmem>>, vector<16xf32>,
        %swap3A_162 = vector.shape_cast %swap3A_161 : vector<16xf32> to vector<16xf32>
        %swap3A_163 = vector.shape_cast %add3A_157 : vector<16xf32> to vector<16xf32>
        tpu.vector_store %arg27[%swap3A], %swap3A_163 {strides = array<i32>} : memref<5120xf32, #tpu.memory_space<vmem>>, vector<16xf32>,
        %neg3A = arith.constant 0.000000e+00 : f32
        %neg3A_164 = vector.broadcast %neg3A : f32 to vector<16xf32>
        %neg3A_165 = arith.subf %neg3A_164, %add3A_157 : vector<16xf32>
        %swap3A_166 = arith.index_cast %mul3A_123 : i32 to index
        %swap3A_167 = tpu.vector_load %arg28[%swap3A_166] {strides = array<i32>} : memref<5120xf32, #tpu.memory_space<vmem>>, vector<16xf32>,
        %swap3A_168 = vector.shape_cast %swap3A_167 : vector<16xf32> to vector<16xf32>
        %swap3A_169 = vector.shape_cast %neg3A_165 : vector<16xf32> to vector<16xf32>
        tpu.vector_store %arg28[%swap3A_166], %swap3A_169 {strides = array<i32>} : memref<5120xf32, #tpu.memory_space<vmem>>, vector<16xf32>,
        %swap3A_170 = arith.index_cast %mul3A_123 : i32 to index
        %swap3A_171 = tpu.vector_load %arg29[%swap3A_170] {strides = array<i32>} : memref<5120xf32, #tpu.memory_space<vmem>>, vector<16xf32>,
        %swap3A_172 = vector.shape_cast %swap3A_171 : vector<16xf32> to vector<16xf32>
        %swap3A_173 = vector.shape_cast %sub3A_160 : vector<16xf32> to vector<16xf32>
        tpu.vector_store %arg29[%swap3A_170], %swap3A_173 {strides = array<i32>} : memref<5120xf32, #tpu.memory_space<vmem>>, vector<16xf32>,
        %neg3A_174 = arith.constant 0.000000e+00 : f32
        %neg3A_175 = vector.broadcast %neg3A_174 : f32 to vector<16xf32>
        %neg3A_176 = arith.subf %neg3A_175, %sub3A_160 : vector<16xf32>
        %swap3A_177 = arith.index_cast %mul3A_123 : i32 to index
        %swap3A_178 = tpu.vector_load %arg30[%swap3A_177] {strides = array<i32>} : memref<5120xf32, #tpu.memory_space<vmem>>, vector<16xf32>,
        %swap3A_179 = vector.shape_cast %swap3A_178 : vector<16xf32> to vector<16xf32>
        %swap3A_180 = vector.shape_cast %neg3A_176 : vector<16xf32> to vector<16xf32>
        tpu.vector_store %arg30[%swap3A_177], %swap3A_180 {strides = array<i32>} : memref<5120xf32, #tpu.memory_space<vmem>>, vector<16xf32>,
      }
      %scan3A_104 = arith.constant 320 : i32
      %dma_start3A_105 = arith.constant 0 : i32
      %dma_start3A_106 = tpu.memref_slice %arg17[%dma_start3A_105] : memref<102400xf32, #tpu.memory_space<vmem_shared>> -> memref<102400xf32, #tpu.memory_space<vmem_shared>>
      tpu.enqueue_indirect_dma source(%arg27 : memref<5120xf32, #tpu.memory_space<vmem>>) target(%dma_start3A_106 : memref<102400xf32, #tpu.memory_space<vmem_shared>>) offsets(%arg20 : memref<5120xi32, #tpu.memory_space<vmem>>) semaphore(%arg33 : memref<!tpu.dma_semaphore, #tpu.memory_space<semaphore_mem>>) {add = true}
      %dma_start3A_107 = arith.constant 0 : i32
      %dma_start3A_108 = tpu.memref_slice %arg17[%dma_start3A_107] : memref<102400xf32, #tpu.memory_space<vmem_shared>> -> memref<102400xf32, #tpu.memory_space<vmem_shared>>
      tpu.enqueue_indirect_dma source(%arg28 : memref<5120xf32, #tpu.memory_space<vmem>>) target(%dma_start3A_108 : memref<102400xf32, #tpu.memory_space<vmem_shared>>) offsets(%arg21 : memref<5120xi32, #tpu.memory_space<vmem>>) semaphore(%arg33 : memref<!tpu.dma_semaphore, #tpu.memory_space<semaphore_mem>>) {add = true}
      %dma_start3A_109 = arith.constant 0 : i32
      %dma_start3A_110 = tpu.memref_slice %arg19[%dma_start3A_109] : memref<102400xf32, #tpu.memory_space<vmem_shared>> -> memref<102400xf32, #tpu.memory_space<vmem_shared>>
      tpu.enqueue_indirect_dma source(%arg29 : memref<5120xf32, #tpu.memory_space<vmem>>) target(%dma_start3A_110 : memref<102400xf32, #tpu.memory_space<vmem_shared>>) offsets(%arg20 : memref<5120xi32, #tpu.memory_space<vmem>>) semaphore(%arg33 : memref<!tpu.dma_semaphore, #tpu.memory_space<semaphore_mem>>) {add = true}
      %dma_start3A_111 = arith.constant 0 : i32
      %dma_start3A_112 = tpu.memref_slice %arg19[%dma_start3A_111] : memref<102400xf32, #tpu.memory_space<vmem_shared>> -> memref<102400xf32, #tpu.memory_space<vmem_shared>>
      tpu.enqueue_indirect_dma source(%arg30 : memref<5120xf32, #tpu.memory_space<vmem>>) target(%dma_start3A_112 : memref<102400xf32, #tpu.memory_space<vmem_shared>>) offsets(%arg21 : memref<5120xi32, #tpu.memory_space<vmem>>) semaphore(%arg33 : memref<!tpu.dma_semaphore, #tpu.memory_space<semaphore_mem>>) {add = true}
      %dma_wait3A_113 = arith.constant 0 : i32
      %dma_wait3A_114 = tpu.memref_slice %arg17[%dma_wait3A_113] : memref<102400xf32, #tpu.memory_space<vmem_shared>> -> memref<102400xf32, #tpu.memory_space<vmem_shared>>
      tpu.wait_indirect_dma semaphore(%arg33 : memref<!tpu.dma_semaphore, #tpu.memory_space<semaphore_mem>>) src(%arg27 : memref<5120xf32, #tpu.memory_space<vmem>>) dst(%dma_wait3A_114 : memref<102400xf32, #tpu.memory_space<vmem_shared>>)
      %dma_wait3A_115 = arith.constant 0 : i32
      %dma_wait3A_116 = tpu.memref_slice %arg17[%dma_wait3A_115] : memref<102400xf32, #tpu.memory_space<vmem_shared>> -> memref<102400xf32, #tpu.memory_space<vmem_shared>>
      tpu.wait_indirect_dma semaphore(%arg33 : memref<!tpu.dma_semaphore, #tpu.memory_space<semaphore_mem>>) src(%arg28 : memref<5120xf32, #tpu.memory_space<vmem>>) dst(%dma_wait3A_116 : memref<102400xf32, #tpu.memory_space<vmem_shared>>)
      %dma_wait3A_117 = arith.constant 0 : i32
      %dma_wait3A_118 = tpu.memref_slice %arg19[%dma_wait3A_117] : memref<102400xf32, #tpu.memory_space<vmem_shared>> -> memref<102400xf32, #tpu.memory_space<vmem_shared>>
      tpu.wait_indirect_dma semaphore(%arg33 : memref<!tpu.dma_semaphore, #tpu.memory_space<semaphore_mem>>) src(%arg29 : memref<5120xf32, #tpu.memory_space<vmem>>) dst(%dma_wait3A_118 : memref<102400xf32, #tpu.memory_space<vmem_shared>>)
      %dma_wait3A_119 = arith.constant 0 : i32
      %dma_wait3A_120 = tpu.memref_slice %arg19[%dma_wait3A_119] : memref<102400xf32, #tpu.memory_space<vmem_shared>> -> memref<102400xf32, #tpu.memory_space<vmem_shared>>
      tpu.wait_indirect_dma semaphore(%arg33 : memref<!tpu.dma_semaphore, #tpu.memory_space<semaphore_mem>>) src(%arg30 : memref<5120xf32, #tpu.memory_space<vmem>>) dst(%dma_wait3A_120 : memref<102400xf32, #tpu.memory_space<vmem_shared>>)
    }
    %barrier3A_37 = arith.constant 0 : index
    tpu.barrier barrier_id(%barrier3A_37)
    %run_scoped3A = arith.constant 0 : i32
    "tpu.region"() ({
      %run_scoped3A_41 = tpu.sem_alloc : memref<!tpu.dma_semaphore, #tpu.memory_space<semaphore_mem>>
      %dma_start3A = tpu.memref_slice %arg10[%arg0, %run_scoped3A, %mul3A_2] : memref<2x2x102400xf32, #tpu.memory_space<hbm>> -> memref<1x1x6400xf32, #tpu.memory_space<hbm>>
      %dma_start3A_42 = tpu.memref_squeeze %dma_start3A : memref<1x1x6400xf32, #tpu.memory_space<hbm>> -> memref<6400xf32, #tpu.memory_space<hbm>>
      %dma_start3A_43 = tpu.memref_slice %arg16[%mul3A_2] : memref<102400xf32, #tpu.memory_space<vmem_shared>> -> memref<6400xf32, #tpu.memory_space<vmem_shared>>
      tpu.enqueue_dma source(%dma_start3A_43 : memref<6400xf32, #tpu.memory_space<vmem_shared>>) target(%dma_start3A_42 : memref<6400xf32, #tpu.memory_space<hbm>>) target_semaphore(%run_scoped3A_41 : memref<!tpu.dma_semaphore, #tpu.memory_space<semaphore_mem>>)
      %dma_wait3A = tpu.memref_slice %arg10[%arg0, %run_scoped3A, %mul3A_2] : memref<2x2x102400xf32, #tpu.memory_space<hbm>> -> memref<1x1x6400xf32, #tpu.memory_space<hbm>>
      %dma_wait3A_44 = tpu.memref_squeeze %dma_wait3A : memref<1x1x6400xf32, #tpu.memory_space<hbm>> -> memref<6400xf32, #tpu.memory_space<hbm>>
      %dma_wait3A_45 = tpu.memref_slice %arg16[%mul3A_2] : memref<102400xf32, #tpu.memory_space<vmem_shared>> -> memref<6400xf32, #tpu.memory_space<vmem_shared>>
      tpu.wait_dma2 semaphore(%run_scoped3A_41 : memref<!tpu.dma_semaphore, #tpu.memory_space<semaphore_mem>>) src(%dma_wait3A_45 : memref<6400xf32, #tpu.memory_space<vmem_shared>>) dst(%dma_wait3A_44 : memref<6400xf32, #tpu.memory_space<hbm>>)
      tpu.yield
    }) : () -> ()
    %run_scoped3A_38 = arith.constant 1 : i32
    "tpu.region"() ({
      %run_scoped3A_41 = tpu.sem_alloc : memref<!tpu.dma_semaphore, #tpu.memory_space<semaphore_mem>>
      %dma_start3A = tpu.memref_slice %arg10[%arg0, %run_scoped3A_38, %mul3A_2] : memref<2x2x102400xf32, #tpu.memory_space<hbm>> -> memref<1x1x6400xf32, #tpu.memory_space<hbm>>
      %dma_start3A_42 = tpu.memref_squeeze %dma_start3A : memref<1x1x6400xf32, #tpu.memory_space<hbm>> -> memref<6400xf32, #tpu.memory_space<hbm>>
      %dma_start3A_43 = tpu.memref_slice %arg17[%mul3A_2] : memref<102400xf32, #tpu.memory_space<vmem_shared>> -> memref<6400xf32, #tpu.memory_space<vmem_shared>>
      tpu.enqueue_dma source(%dma_start3A_43 : memref<6400xf32, #tpu.memory_space<vmem_shared>>) target(%dma_start3A_42 : memref<6400xf32, #tpu.memory_space<hbm>>) target_semaphore(%run_scoped3A_41 : memref<!tpu.dma_semaphore, #tpu.memory_space<semaphore_mem>>)
      %dma_wait3A = tpu.memref_slice %arg10[%arg0, %run_scoped3A_38, %mul3A_2] : memref<2x2x102400xf32, #tpu.memory_space<hbm>> -> memref<1x1x6400xf32, #tpu.memory_space<hbm>>
      %dma_wait3A_44 = tpu.memref_squeeze %dma_wait3A : memref<1x1x6400xf32, #tpu.memory_space<hbm>> -> memref<6400xf32, #tpu.memory_space<hbm>>
      %dma_wait3A_45 = tpu.memref_slice %arg17[%mul3A_2] : memref<102400xf32, #tpu.memory_space<vmem_shared>> -> memref<6400xf32, #tpu.memory_space<vmem_shared>>
      tpu.wait_dma2 semaphore(%run_scoped3A_41 : memref<!tpu.dma_semaphore, #tpu.memory_space<semaphore_mem>>) src(%dma_wait3A_45 : memref<6400xf32, #tpu.memory_space<vmem_shared>>) dst(%dma_wait3A_44 : memref<6400xf32, #tpu.memory_space<hbm>>)
      tpu.yield
    }) : () -> ()
    %run_scoped3A_39 = arith.constant 0 : i32
    "tpu.region"() ({
      %run_scoped3A_41 = tpu.sem_alloc : memref<!tpu.dma_semaphore, #tpu.memory_space<semaphore_mem>>
      %dma_start3A = tpu.memref_slice %arg11[%arg0, %run_scoped3A_39, %mul3A_2] : memref<2x2x102400xf32, #tpu.memory_space<hbm>> -> memref<1x1x6400xf32, #tpu.memory_space<hbm>>
      %dma_start3A_42 = tpu.memref_squeeze %dma_start3A : memref<1x1x6400xf32, #tpu.memory_space<hbm>> -> memref<6400xf32, #tpu.memory_space<hbm>>
      %dma_start3A_43 = tpu.memref_slice %arg18[%mul3A_2] : memref<102400xf32, #tpu.memory_space<vmem_shared>> -> memref<6400xf32, #tpu.memory_space<vmem_shared>>
      tpu.enqueue_dma source(%dma_start3A_43 : memref<6400xf32, #tpu.memory_space<vmem_shared>>) target(%dma_start3A_42 : memref<6400xf32, #tpu.memory_space<hbm>>) target_semaphore(%run_scoped3A_41 : memref<!tpu.dma_semaphore, #tpu.memory_space<semaphore_mem>>)
      %dma_wait3A = tpu.memref_slice %arg11[%arg0, %run_scoped3A_39, %mul3A_2] : memref<2x2x102400xf32, #tpu.memory_space<hbm>> -> memref<1x1x6400xf32, #tpu.memory_space<hbm>>
      %dma_wait3A_44 = tpu.memref_squeeze %dma_wait3A : memref<1x1x6400xf32, #tpu.memory_space<hbm>> -> memref<6400xf32, #tpu.memory_space<hbm>>
      %dma_wait3A_45 = tpu.memref_slice %arg18[%mul3A_2] : memref<102400xf32, #tpu.memory_space<vmem_shared>> -> memref<6400xf32, #tpu.memory_space<vmem_shared>>
      tpu.wait_dma2 semaphore(%run_scoped3A_41 : memref<!tpu.dma_semaphore, #tpu.memory_space<semaphore_mem>>) src(%dma_wait3A_45 : memref<6400xf32, #tpu.memory_space<vmem_shared>>) dst(%dma_wait3A_44 : memref<6400xf32, #tpu.memory_space<hbm>>)
      tpu.yield
    }) : () -> ()
    %run_scoped3A_40 = arith.constant 1 : i32
    "tpu.region"() ({
      %run_scoped3A_41 = tpu.sem_alloc : memref<!tpu.dma_semaphore, #tpu.memory_space<semaphore_mem>>
      %dma_start3A = tpu.memref_slice %arg11[%arg0, %run_scoped3A_40, %mul3A_2] : memref<2x2x102400xf32, #tpu.memory_space<hbm>> -> memref<1x1x6400xf32, #tpu.memory_space<hbm>>
      %dma_start3A_42 = tpu.memref_squeeze %dma_start3A : memref<1x1x6400xf32, #tpu.memory_space<hbm>> -> memref<6400xf32, #tpu.memory_space<hbm>>
      %dma_start3A_43 = tpu.memref_slice %arg19[%mul3A_2] : memref<102400xf32, #tpu.memory_space<vmem_shared>> -> memref<6400xf32, #tpu.memory_space<vmem_shared>>
      tpu.enqueue_dma source(%dma_start3A_43 : memref<6400xf32, #tpu.memory_space<vmem_shared>>) target(%dma_start3A_42 : memref<6400xf32, #tpu.memory_space<hbm>>) target_semaphore(%run_scoped3A_41 : memref<!tpu.dma_semaphore, #tpu.memory_space<semaphore_mem>>)
      %dma_wait3A = tpu.memref_slice %arg11[%arg0, %run_scoped3A_40, %mul3A_2] : memref<2x2x102400xf32, #tpu.memory_space<hbm>> -> memref<1x1x6400xf32, #tpu.memory_space<hbm>>
      %dma_wait3A_44 = tpu.memref_squeeze %dma_wait3A : memref<1x1x6400xf32, #tpu.memory_space<hbm>> -> memref<6400xf32, #tpu.memory_space<hbm>>
      %dma_wait3A_45 = tpu.memref_slice %arg19[%mul3A_2] : memref<102400xf32, #tpu.memory_space<vmem_shared>> -> memref<6400xf32, #tpu.memory_space<vmem_shared>>
      tpu.wait_dma2 semaphore(%run_scoped3A_41 : memref<!tpu.dma_semaphore, #tpu.memory_space<semaphore_mem>>) src(%dma_wait3A_45 : memref<6400xf32, #tpu.memory_space<vmem_shared>>) dst(%dma_wait3A_44 : memref<6400xf32, #tpu.memory_space<hbm>>)
      tpu.yield
    }) : () -> ()
    return
  }
}

module attributes {stable_mosaic.version = 14 : i64} {
  func.func @_prep_kernel(%arg0: i32, %arg1: memref<2x102400xf32, #tpu.memory_space<vmem>>, %arg2: memref<2x102400xf32, #tpu.memory_space<vmem>>, %arg3: memref<2x128000xi32, #tpu.memory_space<vmem>>, %arg4: memref<102400xf32, #tpu.memory_space<vmem>>, %arg5: memref<102400xf32, #tpu.memory_space<vmem>>, %arg6: memref<102400xf32, #tpu.memory_space<vmem>>, %arg7: memref<102400xf32, #tpu.memory_space<vmem>>, %arg8: memref<128000xi32, #tpu.memory_space<vmem>>, %arg9: memref<128000xi32, #tpu.memory_space<vmem>>) attributes {dimension_semantics = [#tpu.dimension_semantics<arbitrary>], iteration_bounds = array<i64: 25>, scalar_prefetch = 0 : i64, scratch_operands = 0 : i64, tpu.core_type = #tpu.core_type<tc>, window_params = [{pipeline_mode = #tpu.pipeline_mode<synchronous>, transform_indices = @transform_0, window_bounds = array<i64: 2, 102400>}, {pipeline_mode = #tpu.pipeline_mode<synchronous>, transform_indices = @transform_1, window_bounds = array<i64: 2, 102400>}, {transform_indices = @transform_2, window_bounds = array<i64: 2, 128000>}, {pipeline_mode = #tpu.pipeline_mode<synchronous>, transform_indices = @transform_3, window_bounds = array<i64: 102400>}, {pipeline_mode = #tpu.pipeline_mode<synchronous>, transform_indices = @transform_4, window_bounds = array<i64: 102400>}, {pipeline_mode = #tpu.pipeline_mode<synchronous>, transform_indices = @transform_5, window_bounds = array<i64: 102400>}, {pipeline_mode = #tpu.pipeline_mode<synchronous>, transform_indices = @transform_6, window_bounds = array<i64: 102400>}, {transform_indices = @transform_7, window_bounds = array<i64: 128000>}, {transform_indices = @transform_8, window_bounds = array<i64: 128000>}]} {
    %eq3A = arith.constant 0 : i32
    %eq3A_0 = arith.cmpi eq, %arg0, %eq3A : i32
    %convert_element_type3A = arith.extui %eq3A_0 : i1 to i32
    %cond3A = arith.constant 0 : i32
    %cond3A_1 = arith.cmpi ne, %convert_element_type3A, %cond3A : i32
    scf.if %cond3A_1 {
      %get3A_12 = arith.constant 0 : index
      %get3A_13 = arith.constant 0 : index
      %get3A_14 = vector.load %arg1[%get3A_12, %get3A_13] : memref<2x102400xf32, #tpu.memory_space<vmem>>, vector<2x102400xf32>
      %get3A_15 = arith.constant 0 : index
      %get3A_16 = arith.constant 0 : index
      %get3A_17 = vector.load %arg2[%get3A_15, %get3A_16] : memref<2x102400xf32, #tpu.memory_space<vmem>>, vector<2x102400xf32>
      %cos3A = math.cos %get3A_17 : vector<2x102400xf32>
      %mul3A = arith.mulf %get3A_14, %cos3A : vector<2x102400xf32>
      %sin3A = math.sin %get3A_17 : vector<2x102400xf32>
      %mul3A_18 = arith.mulf %get3A_14, %sin3A : vector<2x102400xf32>
      %slice3A = vector.extract_strided_slice %mul3A {offsets = [0, 0], sizes = [1, 102400], strides = [1, 1]} : vector<2x102400xf32> to vector<1x102400xf32>
      %squeeze3A = vector.shape_cast %slice3A : vector<1x102400xf32> to vector<102400xf32>
      %swap3A_19 = arith.constant 0 : index
      %swap3A_20 = vector.load %arg4[%swap3A_19] : memref<102400xf32, #tpu.memory_space<vmem>>, vector<102400xf32>
      tpu.vector_store %arg4[%swap3A_19], %squeeze3A {strides = array<i32>} : memref<102400xf32, #tpu.memory_space<vmem>>, vector<102400xf32>,
      %slice3A_21 = vector.extract_strided_slice %mul3A {offsets = [1, 0], sizes = [1, 102400], strides = [1, 1]} : vector<2x102400xf32> to vector<1x102400xf32>
      %squeeze3A_22 = vector.shape_cast %slice3A_21 : vector<1x102400xf32> to vector<102400xf32>
      %swap3A_23 = arith.constant 0 : index
      %swap3A_24 = vector.load %arg5[%swap3A_23] : memref<102400xf32, #tpu.memory_space<vmem>>, vector<102400xf32>
      tpu.vector_store %arg5[%swap3A_23], %squeeze3A_22 {strides = array<i32>} : memref<102400xf32, #tpu.memory_space<vmem>>, vector<102400xf32>,
      %slice3A_25 = vector.extract_strided_slice %mul3A_18 {offsets = [0, 0], sizes = [1, 102400], strides = [1, 1]} : vector<2x102400xf32> to vector<1x102400xf32>
      %squeeze3A_26 = vector.shape_cast %slice3A_25 : vector<1x102400xf32> to vector<102400xf32>
      %swap3A_27 = arith.constant 0 : index
      %swap3A_28 = vector.load %arg6[%swap3A_27] : memref<102400xf32, #tpu.memory_space<vmem>>, vector<102400xf32>
      tpu.vector_store %arg6[%swap3A_27], %squeeze3A_26 {strides = array<i32>} : memref<102400xf32, #tpu.memory_space<vmem>>, vector<102400xf32>,
      %slice3A_29 = vector.extract_strided_slice %mul3A_18 {offsets = [1, 0], sizes = [1, 102400], strides = [1, 1]} : vector<2x102400xf32> to vector<1x102400xf32>
      %squeeze3A_30 = vector.shape_cast %slice3A_29 : vector<1x102400xf32> to vector<102400xf32>
      %swap3A_31 = arith.constant 0 : index
      %swap3A_32 = vector.load %arg7[%swap3A_31] : memref<102400xf32, #tpu.memory_space<vmem>>, vector<102400xf32>
      tpu.vector_store %arg7[%swap3A_31], %squeeze3A_30 {strides = array<i32>} : memref<102400xf32, #tpu.memory_space<vmem>>, vector<102400xf32>,
    } else {
    }
    %get3A = arith.constant 0 : index
    %get3A_2 = arith.constant 0 : index
    %get3A_3 = vector.load %arg3[%get3A, %get3A_2] : memref<2x128000xi32, #tpu.memory_space<vmem>>, vector<1x128000xi32>
    %get3A_4 = vector.shape_cast %get3A_3 : vector<1x128000xi32> to vector<128000xi32>
    %swap3A = arith.constant 0 : index
    %swap3A_5 = vector.load %arg8[%swap3A] : memref<128000xi32, #tpu.memory_space<vmem>>, vector<128000xi32>
    tpu.vector_store %arg8[%swap3A], %get3A_4 {strides = array<i32>} : memref<128000xi32, #tpu.memory_space<vmem>>, vector<128000xi32>,
    %get3A_6 = arith.constant 1 : index
    %get3A_7 = arith.constant 0 : index
    %get3A_8 = vector.load %arg3[%get3A_6, %get3A_7] : memref<2x128000xi32, #tpu.memory_space<vmem>>, vector<1x128000xi32>
    %get3A_9 = vector.shape_cast %get3A_8 : vector<1x128000xi32> to vector<128000xi32>
    %swap3A_10 = arith.constant 0 : index
    %swap3A_11 = vector.load %arg9[%swap3A_10] : memref<128000xi32, #tpu.memory_space<vmem>>, vector<128000xi32>
    tpu.vector_store %arg9[%swap3A_10], %get3A_9 {strides = array<i32>} : memref<128000xi32, #tpu.memory_space<vmem>>, vector<128000xi32>,
    return
  }
  func.func @transform_0(%arg0: i32) -> (i32, i32) {
    %c0_i32 = arith.constant 0 : i32
    %c0_i32_0 = arith.constant 0 : i32
    %c0_i32_1 = arith.constant 0 : i32
    return %c0_i32, %c0_i32_0 : i32, i32
  }
  func.func @transform_1(%arg0: i32) -> (i32, i32) {
    %c0_i32 = arith.constant 0 : i32
    %c0_i32_0 = arith.constant 0 : i32
    %c0_i32_1 = arith.constant 0 : i32
    return %c0_i32, %c0_i32_0 : i32, i32
  }
  func.func @transform_2(%arg0: i32) -> (i32, i32) {
    %c0_i32 = arith.constant 0 : i32
    %c0_i32_0 = arith.constant 0 : i32
    return %c0_i32, %arg0 : i32, i32
  }
  func.func @transform_3(%arg0: i32) -> i32 {
    %c0_i32 = arith.constant 0 : i32
    %c0_i32_0 = arith.constant 0 : i32
    return %c0_i32 : i32
  }
  func.func @transform_4(%arg0: i32) -> i32 {
    %c0_i32 = arith.constant 0 : i32
    %c0_i32_0 = arith.constant 0 : i32
    return %c0_i32 : i32
  }
  func.func @transform_5(%arg0: i32) -> i32 {
    %c0_i32 = arith.constant 0 : i32
    %c0_i32_0 = arith.constant 0 : i32
    return %c0_i32 : i32
  }
  func.func @transform_6(%arg0: i32) -> i32 {
    %c0_i32 = arith.constant 0 : i32
    %c0_i32_0 = arith.constant 0 : i32
    return %c0_i32 : i32
  }
  func.func @transform_7(%arg0: i32) -> i32 {
    %c0_i32 = arith.constant 0 : i32
    return %arg0 : i32
  }
  func.func @transform_8(%arg0: i32) -> i32 {
    %c0_i32 = arith.constant 0 : i32
    return %arg0 : i32
  }
}

module attributes {stable_mosaic.version = 14 : i64} {
  func.func @_edge_loss_kernel(%arg0: i32, %arg1: memref<2x128000xf32, #tpu.memory_space<vmem>>, %arg2: memref<2x128000xf32, #tpu.memory_space<vmem>>, %arg3: memref<1xf32, #tpu.memory_space<smem>>) attributes {dimension_semantics = [#tpu.dimension_semantics<arbitrary>], iteration_bounds = array<i64: 25>, scalar_prefetch = 0 : i64, scratch_operands = 0 : i64, tpu.core_type = #tpu.core_type<tc>, window_params = [{transform_indices = @transform_0, window_bounds = array<i64: 2, 128000>}, {transform_indices = @transform_1, window_bounds = array<i64: 2, 128000>}, {transform_indices = @transform_2, window_bounds = array<i64: 1>}]} {
    %eq3A = arith.constant 0 : i32
    %eq3A_0 = arith.cmpi eq, %arg0, %eq3A : i32
    %convert_element_type3A = arith.extui %eq3A_0 : i1 to i32
    %cond3A = arith.constant 0 : i32
    %cond3A_1 = arith.cmpi ne, %convert_element_type3A, %cond3A : i32
    scf.if %cond3A_1 {
      %swap3A_16 = arith.constant 0.000000e+00 : f32
      %swap3A_17 = arith.constant 0 : index
      %swap3A_18 = memref.load %arg3[%swap3A_17] : memref<1xf32, #tpu.memory_space<smem>>
      memref.store %swap3A_16, %arg3[%swap3A_17] : memref<1xf32, #tpu.memory_space<smem>>
    } else {
    }
    %get3A = arith.constant 0 : index
    %get3A_2 = arith.constant 0 : index
    %get3A_3 = vector.load %arg1[%get3A, %get3A_2] : memref<2x128000xf32, #tpu.memory_space<vmem>>, vector<2x128000xf32>
    %abs3A = math.absf %get3A_3 : vector<2x128000xf32>
    %get3A_4 = arith.constant 0 : index
    %get3A_5 = arith.constant 0 : index
    %get3A_6 = vector.load %arg2[%get3A_4, %get3A_5] : memref<2x128000xf32, #tpu.memory_space<vmem>>, vector<2x128000xf32>
    %sub3A = arith.subf %abs3A, %get3A_6 : vector<2x128000xf32>
    %max3A = arith.constant 0.000000e+00 : f32
    %max3A_7 = vector.broadcast %max3A : f32 to vector<2x128000xf32>
    %max3A_8 = arith.maximumf %sub3A, %max3A_7 : vector<2x128000xf32>
    %get3A_9 = arith.constant 0 : index
    %get3A_10 = memref.load %arg3[%get3A_9] : memref<1xf32, #tpu.memory_space<smem>>
    %mul3A = arith.mulf %max3A_8, %max3A_8 : vector<2x128000xf32>
    %reduce_sum3A = vector.shape_cast %mul3A : vector<2x128000xf32> to vector<1x2x128000xf32>
    %reduce_sum3A_11 = arith.constant dense<0.000000e+00> : vector<1xf32>
    %reduce_sum3A_12 = vector.multi_reduction <add>, %reduce_sum3A, %reduce_sum3A_11 [1, 2] : vector<1x2x128000xf32> to vector<1xf32>
    %reduce_sum3A_13 = vector.shape_cast %reduce_sum3A_12 : vector<1xf32> to vector<1x1x1xf32>
    %reduce_sum3A_14 = vector.extract %reduce_sum3A_13[0, 0, 0] : f32 from vector<1x1x1xf32>
    %add3A = arith.addf %get3A_10, %reduce_sum3A_14 : f32
    %swap3A = arith.constant 0 : index
    %swap3A_15 = memref.load %arg3[%swap3A] : memref<1xf32, #tpu.memory_space<smem>>
    memref.store %add3A, %arg3[%swap3A] : memref<1xf32, #tpu.memory_space<smem>>
    return
  }
  func.func @transform_0(%arg0: i32) -> (i32, i32) {
    %c0_i32 = arith.constant 0 : i32
    %c0_i32_0 = arith.constant 0 : i32
    return %c0_i32, %arg0 : i32, i32
  }
  func.func @transform_1(%arg0: i32) -> (i32, i32) {
    %c0_i32 = arith.constant 0 : i32
    %c0_i32_0 = arith.constant 0 : i32
    return %c0_i32, %arg0 : i32, i32
  }
  func.func @transform_2(%arg0: i32) -> i32 {
    %c0_i32 = arith.constant 0 : i32
    %c0_i32_0 = arith.constant 0 : i32
    return %c0_i32 : i32
  }
}

module attributes {stable_mosaic.version = 14 : i64} {
  func.func @_node_loss_kernel(%arg0: i32, %arg1: memref<2x10240xf32, #tpu.memory_space<vmem>>, %arg2: memref<2x10240xf32, #tpu.memory_space<vmem>>, %arg3: memref<2x10240xf32, #tpu.memory_space<vmem>>, %arg4: memref<2x10240xf32, #tpu.memory_space<vmem>>, %arg5: memref<2x10240xf32, #tpu.memory_space<vmem>>, %arg6: memref<2x10240xf32, #tpu.memory_space<vmem>>, %arg7: memref<2x1xf32, #tpu.memory_space<vmem>>, %arg8: memref<2x1xf32, #tpu.memory_space<vmem>>, %arg9: memref<2x2x10240xf32, #tpu.memory_space<vmem>>, %arg10: memref<2x2x10240xf32, #tpu.memory_space<vmem>>, %arg11: memref<6xf32, #tpu.memory_space<smem>>) attributes {dimension_semantics = [#tpu.dimension_semantics<arbitrary>], iteration_bounds = array<i64: 10>, scalar_prefetch = 0 : i64, scratch_operands = 0 : i64, tpu.core_type = #tpu.core_type<tc>, window_params = [{transform_indices = @transform_0, window_bounds = array<i64: 2, 10240>}, {transform_indices = @transform_1, window_bounds = array<i64: 2, 10240>}, {transform_indices = @transform_2, window_bounds = array<i64: 2, 10240>}, {transform_indices = @transform_3, window_bounds = array<i64: 2, 10240>}, {transform_indices = @transform_4, window_bounds = array<i64: 2, 10240>}, {transform_indices = @transform_5, window_bounds = array<i64: 2, 10240>}, {pipeline_mode = #tpu.pipeline_mode<synchronous>, transform_indices = @transform_6, window_bounds = array<i64: 2, 1>}, {pipeline_mode = #tpu.pipeline_mode<synchronous>, transform_indices = @transform_7, window_bounds = array<i64: 2, 1>}, {transform_indices = @transform_8, window_bounds = array<i64: 2, 2, 10240>}, {transform_indices = @transform_9, window_bounds = array<i64: 2, 2, 10240>}, {transform_indices = @transform_10, window_bounds = array<i64: 6>}]} {
    %iota3A = tpu.iota {dimensions = array<i32: 1>} : vector<1x10240xi32>
    %mul3A = arith.constant 10240 : i32
    %mul3A_0 = arith.muli %arg0, %mul3A : i32
    %add3A = vector.broadcast %mul3A_0 : i32 to vector<1x10240xi32>
    %add3A_1 = arith.addi %iota3A, %add3A : vector<1x10240xi32>
    %lt3A = arith.constant 100000 : i32
    %lt3A_2 = vector.broadcast %lt3A : i32 to vector<1x10240xi32>
    %lt3A_3 = arith.cmpi slt, %add3A_1, %lt3A_2 : vector<1x10240xi32>
    %eq3A = arith.constant 0 : i32
    %eq3A_4 = arith.cmpi eq, %arg0, %eq3A : i32
    %convert_element_type3A = arith.extui %eq3A_4 : i1 to i32
    %cond3A = arith.constant 0 : i32
    %cond3A_5 = arith.cmpi ne, %convert_element_type3A, %cond3A : i32
    scf.if %cond3A_5 {
      %swap3A_143 = arith.constant 0.000000e+00 : f32
      %swap3A_144 = arith.constant 0 : index
      %swap3A_145 = memref.load %arg11[%swap3A_144] : memref<6xf32, #tpu.memory_space<smem>>
      memref.store %swap3A_143, %arg11[%swap3A_144] : memref<6xf32, #tpu.memory_space<smem>>
      %swap3A_146 = arith.constant 0.000000e+00 : f32
      %swap3A_147 = arith.constant 1 : index
      %swap3A_148 = memref.load %arg11[%swap3A_147] : memref<6xf32, #tpu.memory_space<smem>>
      memref.store %swap3A_146, %arg11[%swap3A_147] : memref<6xf32, #tpu.memory_space<smem>>
      %swap3A_149 = arith.constant 0.000000e+00 : f32
      %swap3A_150 = arith.constant 2 : index
      %swap3A_151 = memref.load %arg11[%swap3A_150] : memref<6xf32, #tpu.memory_space<smem>>
      memref.store %swap3A_149, %arg11[%swap3A_150] : memref<6xf32, #tpu.memory_space<smem>>
      %swap3A_152 = arith.constant 0.000000e+00 : f32
      %swap3A_153 = arith.constant 3 : index
      %swap3A_154 = memref.load %arg11[%swap3A_153] : memref<6xf32, #tpu.memory_space<smem>>
      memref.store %swap3A_152, %arg11[%swap3A_153] : memref<6xf32, #tpu.memory_space<smem>>
      %swap3A_155 = arith.constant 0.000000e+00 : f32
      %swap3A_156 = arith.constant 4 : index
      %swap3A_157 = memref.load %arg11[%swap3A_156] : memref<6xf32, #tpu.memory_space<smem>>
      memref.store %swap3A_155, %arg11[%swap3A_156] : memref<6xf32, #tpu.memory_space<smem>>
      %get3A_158 = arith.constant 0 : index
      %get3A_159 = arith.constant 0 : index
      %get3A_160 = vector.load %arg8[%get3A_158, %get3A_159] : memref<2x1xf32, #tpu.memory_space<vmem>>, vector<2x1xf32>
      %mul3A_161 = arith.constant 6.000000e+00 : f32
      %mul3A_162 = vector.broadcast %mul3A_161 : f32 to vector<2x1xf32>
      %mul3A_163 = arith.mulf %mul3A_162, %get3A_160 : vector<2x1xf32>
      %add3A_164 = arith.constant 6.000000e+01 : f32
      %add3A_165 = vector.broadcast %add3A_164 : f32 to vector<2x1xf32>
      %add3A_166 = arith.addf %add3A_165, %mul3A_163 : vector<2x1xf32>
      %get3A_167 = arith.constant 0 : index
      %get3A_168 = arith.constant 0 : index
      %get3A_169 = vector.load %arg7[%get3A_167, %get3A_168] : memref<2x1xf32, #tpu.memory_space<vmem>>, vector<2x1xf32>
      %sub3A_170 = arith.subf %get3A_169, %add3A_166 : vector<2x1xf32>
      %integer_pow3A_171 = arith.mulf %sub3A_170, %sub3A_170 : vector<2x1xf32>
      %reduce_sum3A_172 = vector.shape_cast %integer_pow3A_171 : vector<2x1xf32> to vector<1x2x1xf32>
      %reduce_sum3A_173 = arith.constant dense<0.000000e+00> : vector<1xf32>
      %reduce_sum3A_174 = vector.multi_reduction <add>, %reduce_sum3A_172, %reduce_sum3A_173 [1, 2] : vector<1x2x1xf32> to vector<1xf32>
      %reduce_sum3A_175 = vector.shape_cast %reduce_sum3A_174 : vector<1xf32> to vector<1x1x1xf32>
      %reduce_sum3A_176 = vector.extract %reduce_sum3A_175[0, 0, 0] : f32 from vector<1x1x1xf32>
      %swap3A_177 = arith.constant 5 : index
      %swap3A_178 = memref.load %arg11[%swap3A_177] : memref<6xf32, #tpu.memory_space<smem>>
      memref.store %reduce_sum3A_176, %arg11[%swap3A_177] : memref<6xf32, #tpu.memory_space<smem>>
    } else {
    }
    %get3A = arith.constant 0 : index
    %get3A_6 = arith.constant 0 : index
    %get3A_7 = vector.load %arg1[%get3A, %get3A_6] : memref<2x10240xf32, #tpu.memory_space<vmem>>, vector<2x10240xf32>
    %jit3A = arith.constant 9.99999997E-7 : f32
    %jit3A_8 = arith.constant 0.999998986 : f32
    %max3A = vector.broadcast %jit3A : f32 to vector<2x10240xf32>
    %max3A_9 = arith.maximumf %max3A, %get3A_7 : vector<2x10240xf32>
    %min3A = vector.broadcast %jit3A_8 : f32 to vector<2x10240xf32>
    %min3A_10 = arith.minimumf %min3A, %max3A_9 : vector<2x10240xf32>
    %get3A_11 = arith.constant 0 : index
    %get3A_12 = arith.constant 0 : index
    %get3A_13 = vector.load %arg2[%get3A_11, %get3A_12] : memref<2x10240xf32, #tpu.memory_space<vmem>>, vector<2x10240xf32>
    %log3A = math.log %min3A_10 : vector<2x10240xf32>
    %mul3A_14 = arith.mulf %get3A_13, %log3A : vector<2x10240xf32>
    %get3A_15 = arith.constant 0 : index
    %get3A_16 = arith.constant 0 : index
    %get3A_17 = vector.load %arg2[%get3A_15, %get3A_16] : memref<2x10240xf32, #tpu.memory_space<vmem>>, vector<2x10240xf32>
    %sub3A = arith.constant 1.000000e+00 : f32
    %sub3A_18 = vector.broadcast %sub3A : f32 to vector<2x10240xf32>
    %sub3A_19 = arith.subf %sub3A_18, %get3A_17 : vector<2x10240xf32>
    %sub3A_20 = arith.constant 1.000000e+00 : f32
    %sub3A_21 = vector.broadcast %sub3A_20 : f32 to vector<2x10240xf32>
    %sub3A_22 = arith.subf %sub3A_21, %min3A_10 : vector<2x10240xf32>
    %log3A_23 = math.log %sub3A_22 : vector<2x10240xf32>
    %mul3A_24 = arith.mulf %sub3A_19, %log3A_23 : vector<2x10240xf32>
    %add3A_25 = arith.addf %mul3A_14, %mul3A_24 : vector<2x10240xf32>
    %neg3A = arith.constant 0.000000e+00 : f32
    %neg3A_26 = vector.broadcast %neg3A : f32 to vector<2x10240xf32>
    %neg3A_27 = arith.subf %neg3A_26, %add3A_25 : vector<2x10240xf32>
    %get3A_28 = arith.constant 0 : index
    %get3A_29 = memref.load %arg11[%get3A_28] : memref<6xf32, #tpu.memory_space<smem>>
    %jit3A_30 = arith.constant 0.000000e+00 : f32
    %broadcast_in_dim3A = vector.shape_cast %lt3A_3 : vector<1x10240xi1> to vector<1x10240xi1>
    %broadcast_in_dim3A_31 = vector.broadcast %broadcast_in_dim3A : vector<1x10240xi1> to vector<2x10240xi1>
    %broadcast_in_dim3A_32 = vector.broadcast %jit3A_30 : f32 to vector<2x10240xf32>
    %select_n3A = arith.select %broadcast_in_dim3A_31, %neg3A_27, %broadcast_in_dim3A_32 : vector<2x10240xi1>, vector<2x10240xf32>
    %reduce_sum3A = vector.shape_cast %select_n3A : vector<2x10240xf32> to vector<1x2x10240xf32>
    %reduce_sum3A_33 = arith.constant dense<0.000000e+00> : vector<1xf32>
    %reduce_sum3A_34 = vector.multi_reduction <add>, %reduce_sum3A, %reduce_sum3A_33 [1, 2] : vector<1x2x10240xf32> to vector<1xf32>
    %reduce_sum3A_35 = vector.shape_cast %reduce_sum3A_34 : vector<1xf32> to vector<1x1x1xf32>
    %reduce_sum3A_36 = vector.extract %reduce_sum3A_35[0, 0, 0] : f32 from vector<1x1x1xf32>
    %add3A_37 = arith.addf %get3A_29, %reduce_sum3A_36 : f32
    %swap3A = arith.constant 0 : index
    %swap3A_38 = memref.load %arg11[%swap3A] : memref<6xf32, #tpu.memory_space<smem>>
    memref.store %add3A_37, %arg11[%swap3A] : memref<6xf32, #tpu.memory_space<smem>>
    %get3A_39 = arith.constant 0 : index
    %get3A_40 = arith.constant 0 : index
    %get3A_41 = arith.constant 0 : index
    %get3A_42 = vector.load %arg9[%get3A_39, %get3A_40, %get3A_41] : memref<2x2x10240xf32, #tpu.memory_space<vmem>>, vector<2x2x10240xf32>
    %reduce_sum3A_43 = arith.constant dense<0.000000e+00> : vector<2x10240xf32>
    %reduce_sum3A_44 = vector.multi_reduction <add>, %get3A_42, %reduce_sum3A_43 [0] : vector<2x2x10240xf32> to vector<2x10240xf32>
    %get3A_45 = arith.constant 1 : index
    %get3A_46 = memref.load %arg11[%get3A_45] : memref<6xf32, #tpu.memory_space<smem>>
    %get3A_47 = arith.constant 0 : index
    %get3A_48 = arith.constant 0 : index
    %get3A_49 = vector.load %arg5[%get3A_47, %get3A_48] : memref<2x10240xf32, #tpu.memory_space<vmem>>, vector<2x10240xf32>
    %sub3A_50 = arith.subf %reduce_sum3A_44, %get3A_49 : vector<2x10240xf32>
    %integer_pow3A = arith.mulf %sub3A_50, %sub3A_50 : vector<2x10240xf32>
    %jit3A_51 = arith.constant 0.000000e+00 : f32
    %broadcast_in_dim3A_52 = vector.shape_cast %lt3A_3 : vector<1x10240xi1> to vector<1x10240xi1>
    %broadcast_in_dim3A_53 = vector.broadcast %broadcast_in_dim3A_52 : vector<1x10240xi1> to vector<2x10240xi1>
    %broadcast_in_dim3A_54 = vector.broadcast %jit3A_51 : f32 to vector<2x10240xf32>
    %select_n3A_55 = arith.select %broadcast_in_dim3A_53, %integer_pow3A, %broadcast_in_dim3A_54 : vector<2x10240xi1>, vector<2x10240xf32>
    %reduce_sum3A_56 = vector.shape_cast %select_n3A_55 : vector<2x10240xf32> to vector<1x2x10240xf32>
    %reduce_sum3A_57 = arith.constant dense<0.000000e+00> : vector<1xf32>
    %reduce_sum3A_58 = vector.multi_reduction <add>, %reduce_sum3A_56, %reduce_sum3A_57 [1, 2] : vector<1x2x10240xf32> to vector<1xf32>
    %reduce_sum3A_59 = vector.shape_cast %reduce_sum3A_58 : vector<1xf32> to vector<1x1x1xf32>
    %reduce_sum3A_60 = vector.extract %reduce_sum3A_59[0, 0, 0] : f32 from vector<1x1x1xf32>
    %add3A_61 = arith.addf %get3A_46, %reduce_sum3A_60 : f32
    %swap3A_62 = arith.constant 1 : index
    %swap3A_63 = memref.load %arg11[%swap3A_62] : memref<6xf32, #tpu.memory_space<smem>>
    memref.store %add3A_61, %arg11[%swap3A_62] : memref<6xf32, #tpu.memory_space<smem>>
    %get3A_64 = arith.constant 0 : index
    %get3A_65 = arith.constant 0 : index
    %get3A_66 = arith.constant 0 : index
    %get3A_67 = vector.load %arg10[%get3A_64, %get3A_65, %get3A_66] : memref<2x2x10240xf32, #tpu.memory_space<vmem>>, vector<2x2x10240xf32>
    %reduce_sum3A_68 = arith.constant dense<0.000000e+00> : vector<2x10240xf32>
    %reduce_sum3A_69 = vector.multi_reduction <add>, %get3A_67, %reduce_sum3A_68 [0] : vector<2x2x10240xf32> to vector<2x10240xf32>
    %get3A_70 = arith.constant 2 : index
    %get3A_71 = memref.load %arg11[%get3A_70] : memref<6xf32, #tpu.memory_space<smem>>
    %get3A_72 = arith.constant 0 : index
    %get3A_73 = arith.constant 0 : index
    %get3A_74 = vector.load %arg6[%get3A_72, %get3A_73] : memref<2x10240xf32, #tpu.memory_space<vmem>>, vector<2x10240xf32>
    %sub3A_75 = arith.subf %reduce_sum3A_69, %get3A_74 : vector<2x10240xf32>
    %integer_pow3A_76 = arith.mulf %sub3A_75, %sub3A_75 : vector<2x10240xf32>
    %jit3A_77 = arith.constant 0.000000e+00 : f32
    %broadcast_in_dim3A_78 = vector.shape_cast %lt3A_3 : vector<1x10240xi1> to vector<1x10240xi1>
    %broadcast_in_dim3A_79 = vector.broadcast %broadcast_in_dim3A_78 : vector<1x10240xi1> to vector<2x10240xi1>
    %broadcast_in_dim3A_80 = vector.broadcast %jit3A_77 : f32 to vector<2x10240xf32>
    %select_n3A_81 = arith.select %broadcast_in_dim3A_79, %integer_pow3A_76, %broadcast_in_dim3A_80 : vector<2x10240xi1>, vector<2x10240xf32>
    %reduce_sum3A_82 = vector.shape_cast %select_n3A_81 : vector<2x10240xf32> to vector<1x2x10240xf32>
    %reduce_sum3A_83 = arith.constant dense<0.000000e+00> : vector<1xf32>
    %reduce_sum3A_84 = vector.multi_reduction <add>, %reduce_sum3A_82, %reduce_sum3A_83 [1, 2] : vector<1x2x10240xf32> to vector<1xf32>
    %reduce_sum3A_85 = vector.shape_cast %reduce_sum3A_84 : vector<1xf32> to vector<1x1x1xf32>
    %reduce_sum3A_86 = vector.extract %reduce_sum3A_85[0, 0, 0] : f32 from vector<1x1x1xf32>
    %add3A_87 = arith.addf %get3A_71, %reduce_sum3A_86 : f32
    %swap3A_88 = arith.constant 2 : index
    %swap3A_89 = memref.load %arg11[%swap3A_88] : memref<6xf32, #tpu.memory_space<smem>>
    memref.store %add3A_87, %arg11[%swap3A_88] : memref<6xf32, #tpu.memory_space<smem>>
    %get3A_90 = arith.constant 0 : index
    %get3A_91 = arith.constant 0 : index
    %get3A_92 = vector.load %arg3[%get3A_90, %get3A_91] : memref<2x10240xf32, #tpu.memory_space<vmem>>, vector<2x10240xf32>
    %sub3A_93 = arith.constant 0.949999988 : f32
    %sub3A_94 = vector.broadcast %sub3A_93 : f32 to vector<2x10240xf32>
    %sub3A_95 = arith.subf %sub3A_94, %get3A_92 : vector<2x10240xf32>
    %max3A_96 = arith.constant 0.000000e+00 : f32
    %max3A_97 = vector.broadcast %max3A_96 : f32 to vector<2x10240xf32>
    %max3A_98 = arith.maximumf %sub3A_95, %max3A_97 : vector<2x10240xf32>
    %sub3A_99 = arith.constant 1.050000e+00 : f32
    %sub3A_100 = vector.broadcast %sub3A_99 : f32 to vector<2x10240xf32>
    %sub3A_101 = arith.subf %get3A_92, %sub3A_100 : vector<2x10240xf32>
    %max3A_102 = arith.constant 0.000000e+00 : f32
    %max3A_103 = vector.broadcast %max3A_102 : f32 to vector<2x10240xf32>
    %max3A_104 = arith.maximumf %sub3A_101, %max3A_103 : vector<2x10240xf32>
    %get3A_105 = arith.constant 3 : index
    %get3A_106 = memref.load %arg11[%get3A_105] : memref<6xf32, #tpu.memory_space<smem>>
    %mul3A_107 = arith.mulf %max3A_98, %max3A_98 : vector<2x10240xf32>
    %mul3A_108 = arith.mulf %max3A_104, %max3A_104 : vector<2x10240xf32>
    %add3A_109 = arith.addf %mul3A_107, %mul3A_108 : vector<2x10240xf32>
    %jit3A_110 = arith.constant 0.000000e+00 : f32
    %broadcast_in_dim3A_111 = vector.shape_cast %lt3A_3 : vector<1x10240xi1> to vector<1x10240xi1>
    %broadcast_in_dim3A_112 = vector.broadcast %broadcast_in_dim3A_111 : vector<1x10240xi1> to vector<2x10240xi1>
    %broadcast_in_dim3A_113 = vector.broadcast %jit3A_110 : f32 to vector<2x10240xf32>
    %select_n3A_114 = arith.select %broadcast_in_dim3A_112, %add3A_109, %broadcast_in_dim3A_113 : vector<2x10240xi1>, vector<2x10240xf32>
    %reduce_sum3A_115 = vector.shape_cast %select_n3A_114 : vector<2x10240xf32> to vector<1x2x10240xf32>
    %reduce_sum3A_116 = arith.constant dense<0.000000e+00> : vector<1xf32>
    %reduce_sum3A_117 = vector.multi_reduction <add>, %reduce_sum3A_115, %reduce_sum3A_116 [1, 2] : vector<1x2x10240xf32> to vector<1xf32>
    %reduce_sum3A_118 = vector.shape_cast %reduce_sum3A_117 : vector<1xf32> to vector<1x1x1xf32>
    %reduce_sum3A_119 = vector.extract %reduce_sum3A_118[0, 0, 0] : f32 from vector<1x1x1xf32>
    %add3A_120 = arith.addf %get3A_106, %reduce_sum3A_119 : f32
    %swap3A_121 = arith.constant 3 : index
    %swap3A_122 = memref.load %arg11[%swap3A_121] : memref<6xf32, #tpu.memory_space<smem>>
    memref.store %add3A_120, %arg11[%swap3A_121] : memref<6xf32, #tpu.memory_space<smem>>
    %get3A_123 = arith.constant 4 : index
    %get3A_124 = memref.load %arg11[%get3A_123] : memref<6xf32, #tpu.memory_space<smem>>
    %get3A_125 = arith.constant 0 : index
    %get3A_126 = arith.constant 0 : index
    %get3A_127 = vector.load %arg4[%get3A_125, %get3A_126] : memref<2x10240xf32, #tpu.memory_space<vmem>>, vector<2x10240xf32>
    %sub3A_128 = arith.subf %get3A_92, %get3A_127 : vector<2x10240xf32>
    %integer_pow3A_129 = arith.mulf %sub3A_128, %sub3A_128 : vector<2x10240xf32>
    %jit3A_130 = arith.constant 0.000000e+00 : f32
    %broadcast_in_dim3A_131 = vector.shape_cast %lt3A_3 : vector<1x10240xi1> to vector<1x10240xi1>
    %broadcast_in_dim3A_132 = vector.broadcast %broadcast_in_dim3A_131 : vector<1x10240xi1> to vector<2x10240xi1>
    %broadcast_in_dim3A_133 = vector.broadcast %jit3A_130 : f32 to vector<2x10240xf32>
    %select_n3A_134 = arith.select %broadcast_in_dim3A_132, %integer_pow3A_129, %broadcast_in_dim3A_133 : vector<2x10240xi1>, vector<2x10240xf32>
    %reduce_sum3A_135 = vector.shape_cast %select_n3A_134 : vector<2x10240xf32> to vector<1x2x10240xf32>
    %reduce_sum3A_136 = arith.constant dense<0.000000e+00> : vector<1xf32>
    %reduce_sum3A_137 = vector.multi_reduction <add>, %reduce_sum3A_135, %reduce_sum3A_136 [1, 2] : vector<1x2x10240xf32> to vector<1xf32>
    %reduce_sum3A_138 = vector.shape_cast %reduce_sum3A_137 : vector<1xf32> to vector<1x1x1xf32>
    %reduce_sum3A_139 = vector.extract %reduce_sum3A_138[0, 0, 0] : f32 from vector<1x1x1xf32>
    %add3A_140 = arith.addf %get3A_124, %reduce_sum3A_139 : f32
    %swap3A_141 = arith.constant 4 : index
    %swap3A_142 = memref.load %arg11[%swap3A_141] : memref<6xf32, #tpu.memory_space<smem>>
    memref.store %add3A_140, %arg11[%swap3A_141] : memref<6xf32, #tpu.memory_space<smem>>
    return
  }
  func.func @transform_0(%arg0: i32) -> (i32, i32) {
    %c0_i32 = arith.constant 0 : i32
    %c0_i32_0 = arith.constant 0 : i32
    return %c0_i32, %arg0 : i32, i32
  }
  func.func @transform_1(%arg0: i32) -> (i32, i32) {
    %c0_i32 = arith.constant 0 : i32
    %c0_i32_0 = arith.constant 0 : i32
    return %c0_i32, %arg0 : i32, i32
  }
  func.func @transform_2(%arg0: i32) -> (i32, i32) {
    %c0_i32 = arith.constant 0 : i32
    %c0_i32_0 = arith.constant 0 : i32
    return %c0_i32, %arg0 : i32, i32
  }
  func.func @transform_3(%arg0: i32) -> (i32, i32) {
    %c0_i32 = arith.constant 0 : i32
    %c0_i32_0 = arith.constant 0 : i32
    return %c0_i32, %arg0 : i32, i32
  }
  func.func @transform_4(%arg0: i32) -> (i32, i32) {
    %c0_i32 = arith.constant 0 : i32
    %c0_i32_0 = arith.constant 0 : i32
    return %c0_i32, %arg0 : i32, i32
  }
  func.func @transform_5(%arg0: i32) -> (i32, i32) {
    %c0_i32 = arith.constant 0 : i32
    %c0_i32_0 = arith.constant 0 : i32
    return %c0_i32, %arg0 : i32, i32
  }
  func.func @transform_6(%arg0: i32) -> (i32, i32) {
    %c0_i32 = arith.constant 0 : i32
    %c0_i32_0 = arith.constant 0 : i32
    %c0_i32_1 = arith.constant 0 : i32
    return %c0_i32, %c0_i32_0 : i32, i32
  }
  func.func @transform_7(%arg0: i32) -> (i32, i32) {
    %c0_i32 = arith.constant 0 : i32
    %c0_i32_0 = arith.constant 0 : i32
    %c0_i32_1 = arith.constant 0 : i32
    return %c0_i32, %c0_i32_0 : i32, i32
  }
  func.func @transform_8(%arg0: i32) -> (i32, i32, i32) {
    %c0_i32 = arith.constant 0 : i32
    %c0_i32_0 = arith.constant 0 : i32
    %c0_i32_1 = arith.constant 0 : i32
    return %c0_i32, %c0_i32_0, %arg0 : i32, i32, i32
  }
  func.func @transform_9(%arg0: i32) -> (i32, i32, i32) {
    %c0_i32 = arith.constant 0 : i32
    %c0_i32_0 = arith.constant 0 : i32
    %c0_i32_1 = arith.constant 0 : i32
    return %c0_i32, %c0_i32_0, %arg0 : i32, i32, i32
  }
  func.func @transform_10(%arg0: i32) -> i32 {
    %c0_i32 = arith.constant 0 : i32
    %c0_i32_0 = arith.constant 0 : i32
    return %c0_i32 : i32
  }
}

</mosaic_0001>

<sc_bundles>
// kernel: kernel.6.cloned.1.call-start
scs
__scs_entry_jumppad:
0x0: {  	(pc) =	sbr.rel $0x88, $3  }
0x1: {  	(tag) =	ssettag $0x0;
	lr =	simm.s32 $0x1  }
0x2: {  	[smem:$0x3F93] =	sst lr;
	_ =	strace $0xD0000000  }
0x3: {  	_ = 	snop  }
0x4: {  	_ = 	snop  }
0x5: {  	_ = 	snop  }
0x6: {  	_ = 	snop  }
0x7: {  	_ = 	snop  }
__scs_overlays_trampoline_lowered:
0x8: {  	[smem:$0x3FA2] =	sst s0  }
0x9: {  	[smem:$0x3FA3] =	sst s1  }
0xa: {  	[smem:$0x3FA4] =	sst s2  }
0xb: {  	[smem:$0x3FA5] =	sst s3  }
0xc: {  	[smem:$0x3FA6] =	sst s4  }
0xd: {  	[smem:$0x3FA7] =	sst s5  }
0xe: {  	[smem:$0x3FA8] =	sst s6  }
0xf: {  	[smem:$0x3FA9] =	sst s7  }
0x10: {  	[smem:$0x3FAA] =	sst s8  }
0x11: {  	[smem:$0x3FAB] =	sst s9;
	s0 =	simm.s32 @!p0 $0x0  }
0x12: {  	s1 =	sld [smem:$0x3F91];
	s0 =	simm.s32 @p0 $0x1  }
0x13: {  	[smem:$0x3FAC] =	sst s0;
	s0 =	simm.s32 @!p1 $0x0  }
0x14: {  	s2 =	sld [smem:$0x3F90];
	s0 =	simm.s32 @p1 $0x1  }
0x15: {  	[smem:$0x3FAD] =	sst s0;
	s0 =	simm.s32 @!p2 $0x0  }
0x16: {  	s3 =	sld [smem:$0x3FDB];
	s0 =	simm.s32 @p2 $0x1  }
0x17: {  	s4 =	simm.s32 $0x1BF5;
	[smem:$0x3FAF] =	sst s0  }
0x18: {  	s0 =	sld [smem:$0x3F92];
	_ =	swait.ge [sflag:s4], $0x0  }
0x19: {  	s7 =	sld [smem:$0x3F93]  }
0x1a: {  	s8 =	sadd.s32 $0xFFFFE003, lr  }
0x1b: {  	s9 =	sadd.s32 $0xFFFFFEF7, lr;
	s5 =	simm.s32 $0xFFFFFFFF;
	p2 =	slt.u32 s8, $0xFFFFF086  }
0x1c: {  	p1 =	slt.u32 s9, $0xF7A;
	s5 =	simm.s32 @!p2 $0x0  }
0x1d: {  	s5 =	simm.s32 @p1 $0x1;
	p0 =	seq.s32 s7, s2  }
0x1e: {  	s7 =	smul.u32 @!p0 $0xF7A, s2;
	p2 =	seq.s32 @!p0 s5, $0x0  }
0x1f: {  	s9 =	smul.u32 $0xF7A, s1;
	s8 =	simm.s32 @!p0 $0x1BF5;
	p2 =	por !p2, p0  }
0x20: {  	[sflag:s8] =	ssyncset.s32 @!p0 $0xFFFFF086;
	s6 =	sadd.s32 @!p0 s3, s7;
	s7 =	simm.s32 @!p0 $0x108  }
0x21: {  	s3 =	sadd.s32 s3, s9;
	s6 =	sadd.s32 @!p0 $0x88, s6;
	s7 =	simm.s32 @p2 $0x1082  }
0x22: {  	[simem:s7], [sflag:s8] =	dma.local @!p0 [hbm:s6], $0xF7A  }
0x23: {  	s9 =	sor.u32 $0xD0000000, s2;
	s6 =	simm.s32 $0x108;
	_ =	swait.ge @!p0 [sflag:s8], $0x0  }
0x24: {  	s3 =	sadd.s32 $0x88, s3;
	s6 =	simm.s32 @!p1 $0x1082;
	[sflag:s4] =	ssyncset.s32 $0xFFFFF086  }
0x25: {  	[simem:s6], [sflag:s4] =	dma.local [hbm:s3], $0xF7A  }
0x26: {  	[smem:$0x3F93] =	sst s1;
	(tag) =	ssettag s2;
	_ =	strace s9  }
0x27: {  	s1 =	sld [smem:$0x3FA3]  }
0x28: {  	s2 =	sld [smem:$0x3FA4]  }
0x29: {  	s4 =	sld [smem:$0x3FA6]  }
0x2a: {  	p0 =	seq.s32 s5, $0x0;
	s5 =	sld [smem:$0x3FA7]  }
0x2b: {  	s6 =	sld [smem:$0x3FA8]  }
0x2c: {  	s7 =	sld [smem:$0x3FA9]  }
0x2d: {  	s3 =	simm.s32 $0x108;
	s8 =	sld [smem:$0x3FAA]  }
0x2e: {  	s3 =	simm.s32 @!p0 $0x1082;
	s9 =	sld [smem:$0x3FAB]  }
0x2f: {  	lr =	sadd.s32 s0, s3;
	s0 =	sld [smem:$0x3FA2]  }
0x30: {  	s3 =	sld [smem:$0x3FA5]  }
0x31: {  	[smem:$0x3FAE] =	sst s10  }
0x32: {  	s10 =	sld [smem:$0x3FAC];
	_ =	sdelay $0x3  }
0x33: {  	p0 =	seq.s32 s10, $0x1;
	s10 =	sld [smem:$0x3FAE];
	_ =	sdelay $0x3  }
0x34: {  	[smem:$0x3FAE] =	sst s10  }
0x35: {  	s10 =	sld [smem:$0x3FAD];
	_ =	sdelay $0x3  }
0x36: {  	p1 =	seq.s32 s10, $0x1;
	s10 =	sld [smem:$0x3FAE];
	_ =	sdelay $0x3  }
0x37: {  	[smem:$0x3FAE] =	sst s10  }
0x38: {  	s10 =	sld [smem:$0x3FAF]  }
0x39: {  	_ = 	snop;
	(pc) =	sbr.ind lr, $3  }
0x3a: {  	_ = 	snop  }
0x3b: {  	_ = 	snop  }
0x3c: {  	p2 =	seq.s32 s10, $0x1;
	s10 =	sld [smem:$0x3FAE]  }
0x3d: {  	_ =	shalt  }
0x3e: {  	_ =	shalt  }
0x3f: {  	_ =	shalt  }
0x40: {  	_ =	shalt  }
0x41: {  	_ =	shalt  }
0x42: {  	_ =	shalt  }
0x43: {  	_ =	shalt  }
0x44: {  	_ =	shalt  }
0x45: {  	_ =	shalt  }
0x46: {  	_ =	shalt  }
0x47: {  	_ =	shalt  }
0x48: {  	_ =	shalt  }
0x49: {  	_ =	shalt  }
0x4a: {  	_ =	shalt  }
0x4b: {  	_ =	shalt  }
0x4c: {  	_ =	shalt  }
0x4d: {  	_ =	shalt  }
0x4e: {  	_ =	shalt  }
0x4f: {  	_ =	shalt  }
0x50: {  	_ =	shalt  }
0x51: {  	_ =	shalt  }
0x52: {  	_ =	shalt  }
0x53: {  	_ =	shalt  }
0x54: {  	_ =	shalt  }
0x55: {  	_ =	shalt  }
0x56: {  	_ =	shalt  }
0x57: {  	_ =	shalt  }
0x58: {  	_ =	shalt  }
0x59: {  	_ =	shalt  }
0x5a: {  	_ =	shalt  }
0x5b: {  	_ =	shalt  }
0x5c: {  	_ =	shalt  }
0x5d: {  	_ =	shalt  }
0x5e: {  	_ =	shalt  }
0x5f: {  	_ =	shalt  }
0x60: {  	_ =	shalt  }
0x61: {  	_ =	shalt  }
0x62: {  	_ =	shalt  }
0x63: {  	_ =	shalt  }
0x64: {  	_ =	shalt  }
0x65: {  	_ =	shalt  }
0x66: {  	_ =	shalt  }
0x67: {  	_ =	shalt  }
0x68: {  	_ =	shalt  }
0x69: {  	_ =	shalt  }
0x6a: {  	_ =	shalt  }
0x6b: {  	_ =	shalt  }
0x6c: {  	_ =	shalt  }
0x6d: {  	_ =	shalt  }
0x6e: {  	_ =	shalt  }
0x6f: {  	_ =	shalt  }
0x70: {  	_ =	shalt  }
0x71: {  	_ =	shalt  }
0x72: {  	_ =	shalt  }
0x73: {  	_ =	shalt  }
0x74: {  	_ =	shalt  }
0x75: {  	_ =	shalt  }
0x76: {  	_ =	shalt  }
0x77: {  	_ =	shalt  }
0x78: {  	_ =	shalt  }
0x79: {  	_ =	shalt  }
0x7a: {  	_ =	shalt  }
0x7b: {  	_ =	shalt  }
0x7c: {  	_ =	shalt  }
0x7d: {  	_ =	shalt  }
0x7e: {  	_ =	shalt  }
0x7f: {  	_ =	shalt  }
0x80: {  	_ =	shalt  }
0x81: {  	_ =	shalt  }
0x82: {  	_ =	shalt  }
0x83: {  	_ =	shalt  }
0x84: {  	_ =	shalt  }
0x85: {  	_ =	shalt  }
0x86: {  	_ =	shalt  }
0x87: {  	_ =	shalt  }
.Lfunc_end0:
.L_simem_size_0:
called_computation_lowered:
.L_overlay_start_0:
0x88: {  	s2 =	sld [smem:$0x3FD9]  }
0x89: {  	s3 =	sld [smem:$0x3FFE];
	_ =	sdelay $0x1  }
0x8a: {  	s1 =	srdreg.scid  }
0x8b: {  	s0 =	sand.u32 $0x1, s1  }
0x8c: {  	s17 =	sshll.u32 s0, $0xA;
	s2 =	sadd.s32 s3, s2  }
0x8d: {  	s2 =	sadd.s32 s2, s17  }
0x8e: {  	[smem:$0x3FBA] =	sst s2  }
0x8f: {  	_ = 	snop  }
0x90: {  	s2 =	sld [smem:$0x3FC2]  }
0x91: {  	s18 =	sld [smem:$0x3FC1];
	(tm) =	ssettm $0x1  }
0x92: {  	s4 =	sld [smem:$0x3FFB];
	_ =	sdelay $0x3  }
0x93: {  	_ =	strace s4  }
0x94: {  	s4 =	sld [smem:$0x3FFC];
	_ =	sdelay $0x3  }
0x95: {  	_ =	strace s4  }
0x96: {  	s4 =	sld [smem:$0x3FFD];
	_ =	sdelay $0x3  }
0x97: {  	_ =	strace s4  }
0x98: {  	_ =	strace $0x8FFFFFFF  }
0x99: {  	s19 =	sld [smem:$0x3FDB];
	_ =	sdelay $0x1  }
0x9a: {  	s5 =	simm.s32 $_scs_section_size  }
0x9b: {  	s6 =	simm.s32 $_size__tile_overlayer_lowered;
	s7 =	simm.s32 $_tile_overlayer_lowered  }
0x9c: {  	s22 =	simm.s32 $0x1BFF;
	s21 =	sshll.u32 s7, $0x1;
	s4 =	sadd.s32 s5, s19  }
0x9d: {  	s8 =	simm.s32 $0x0;
	s20 =	sshll.u32 s6, $0x1;
	s6 =	sadd.s32 s21, s4  }
0x9e: {  	[timem:s8], [sflag:s22] =	dma.local [hbm:s6], s20  }
0x9f: {  	_ =	swait.ge [sflag:s22], s20  }
0xa0: {  	s5 =	ssub.s32 $0x0, s20;
	[sflag:s22] =	ssyncset.done $0x0  }
0xa1: {  	[sflag:s22] =	ssyncadd.s32 s5;
	_ =	sdelay $0x1  }
0xa2: {  	s23 =	simm.s32 $0x1B8B  }
0xa3: {  	_ =	swait.ge [sflag:s23], $0x1  }
0xa4: {  	[sflag:s23] =	ssyncset.done $0x0  }
0xa5: {  	s25 =	simm.s32 $0x1B8E;
	s24 =	sld [smem:$0x3FFE];
	[sflag:s23] =	ssyncadd.s32 $0xFFFFFFFF  }
0xa6: {  	s26 =	simm.s32 $execute0_lowered;
	[smem:$0x3FD2] =	sst s25  }
0xa7: {  	s6 =	sshll.u32 s26, $0x1;
	_ =	strace $0x80000046;
	[dreg:$0x1] =	wrdreg $0xFFFFFFFF  }
0xa8: {  	s28 =	simm.s32 $_size_execute0_lowered;
	s4 =	sadd.s32 s4, s6;
	[dreg:$0x0] =	wrdreg $0x0  }
0xa9: {  	s6 =	sshll.u32 s28, $0x1;
	[dreg:$0x2] =	wrdreg s4  }
0xaa: {  	[dreg:$0x3] =	wrdreg s6  }
0xab: {  	[dreg:$0x4] =	wrdreg $0xC0  }
0xac: {  	_ =	task [dreg:s8], $0x5FFFF  }
0xad: {  	[dreg:$0x1] =	wrdreg $0xFFFFFFFF  }
0xae: {  	[dreg:$0x0] =	wrdreg $0x60  }
0xaf: {  	[dreg:$0x2] =	wrdreg s24  }
0xb0: {  	[dreg:$0x3] =	wrdreg s2  }
0xb1: {  	[dreg:$0x4] =	wrdreg s18  }
0xb2: {  	[dreg:$0x5] =	wrdreg $0x64000  }
0xb3: {  	[dreg:$0x6] =	wrdreg $0x7D000  }
0xb4: {  	[dreg:$0x7] =	wrdreg $0x96000  }
0xb5: {  	[dreg:$0x8] =	wrdreg $0xAF000  }
0xb6: {  	[dreg:$0x9] =	wrdreg $0x0  }
0xb7: {  	[dreg:$0xa] =	wrdreg $0x19000  }
0xb8: {  	[dreg:$0xb] =	wrdreg $0x32000  }
0xb9: {  	[dreg:$0xc] =	wrdreg $0x4B000  }
0xba: {  	[dreg:$0xd] =	wrdreg $0x9  }
0xbb: {  	_ =	task.clear_ibuf [dreg:s8], $0xEFFFF;
	_ =	strace $0x90000046  }
0xbc: {  	s29 =	simm.s32 $0x9;
	_ =	strace $0x80000048  }
0xbd: {  	_ =	swait.ge [sflag:s29], $0x1  }
0xbe: {  	[sflag:s29] =	ssyncadd.s32 $0xFFFFFFFF  }
0xbf: {  	_ =	strace $0x90000048  }
0xc0: {  	_ =	sfence  }
0xc1: {  	s30 =	sld [smem:$0x0];
	_ =	sdelay $0x2  }
0xc2: {  	s31 =	sshll.u32 s1, $0xD;
	s1 =	sshrl.u32 s1, $0x2  }
0xc3: {  	s3 =	sand.u32 $0x4000, s31;
	s1 =	sadd.s32 s1, s30  }
0xc4: {  	s0 =	sor.u32 s3, s0;
	s1 =	sshll.u32 s1, $0x11  }
0xc5: {  	s0 =	sor.u32 s1, s0  }
0xc6: {  	s0 =	sadd.s32 $0x8F2B, s0  }
0xc7: {  	[sflag:s0] =	ssyncadd.remote.s32 $0x1  }
0xc8: {  	_ =	sfence.sel $0xFFFF  }
0xc9: {  	[dreg:$0x0] =	wrdreg $0xFFFFFFFF;
	(pc) =	sbr.abs _section_cstart, $3  }
0xca: {  	[dreg:$0x1] =	wrdreg $0xFFFFFFFF  }
0xcb: {  	_ =	task.clear_ibuf [dreg:s8], $0x2FFFF;
	_ =	strace $0x9FFFFFFF  }
0xcc: {  	(tm) =	ssettm $0x7FFFFFFF  }
0xcd: {  	_ =	shalt  }
tec
execute0_lowered:
.L_overlay_start_1:
0x0: {  	(tag) =	ssettag $0x1  }
0x1: {  	s0 =	rddreg [dreg:$0x0]  }
0x2: {  	s4 =	rddreg [dreg:$0x3]  }
0x3: {  	s5 =	rddreg [dreg:$0x4]  }
0x4: {  	s17 =	rddreg [dreg:$0x5]  }
0x5: {  	s18 =	rddreg [dreg:$0x6]  }
0x6: {  	s7 =	rddreg [dreg:$0x7]  }
0x7: {  	s9 =	rddreg [dreg:$0x8]  }
0x8: {  	s10 =	rddreg [dreg:$0x9]  }
0x9: {  	s11 =	rddreg [dreg:$0xa]  }
0xa: {  	s19 =	stileid.u32;
	s2 =	srdreg.scid  }
0xb: {  	s25 =	simm.s32 $0x0;
	s28 =	simm.s32 $0x1400;
	s30 =	simm.s32 $0x14000  }
0xc: {  	s31 =	simm.s32 $0x15400;
	s1 =	smul.u32 $0x1900, s19;
	s2 =	sand.u32 $0x1, s2  }
0xd: {  	[smem:$0x7FF] =	sst s25;
	s8 =	smul.u32 $0x3200, s19;
	s13 =	sadd.s32 $0x66400, s0  }
0xe: {  	s14 =	sadd.s32 $0x4800, s0;
	s15 =	sadd.s32 $0xD4800, s0;
	s6 =	smul.u32 $0x32000, s2  }
0xf: {  	_ =	strace $0x80000047;
	s12 =	ssub.s32 $0x2, s2;
	s2 =	sshll.u32 s2, $0x4  }
0x10: {  	s3 =	sshrl.u32 s1, $0x3;
	s16 =	sshrl.u32 s12, $0x1;
	s4 =	sadd.s32 s1, s4  }
0x11: {  	s5 =	sadd.s32 s1, s5;
	s20 =	sadd.s32 s1, s18;
	s21 =	sadd.s32 s1, s7  }
0x12: {  	s22 =	sadd.s32 s1, s9;
	s23 =	sor.u32 s2, s19;
	[dreg:$0x14] =	wrdreg s20  }
0x13: {  	s3 =	sadd.s32 s3, s0;
	s6 =	sadd.s32 s8, s6;
	[dreg:$0xd] =	wrdreg s4  }
0x14: {  	s8 =	ssub.s32 s12, s16;
	[dreg:$0xe] =	wrdreg s5;
	s16 =	sadd.s32 $0xC8000, s3  }
0x15: {  	s0 =	sadd.s32 $0xE1000, s0;
	s19 =	sadd.s32 $0xCE400, s3;
	[dreg:$0x15] =	wrdreg s16  }
0x16: {  	s6 =	sshrl.u32 s6, $0x3;
	s20 =	smax.u32 s8, $0x1;
	[dreg:$0x17] =	wrdreg s19  }
0x17: {  	s18 =	ssub.s32 $0x290, s23;
	s26 =	sadd.s32 s15, s6;
	[dreg:$0x19] =	wrdreg s20  }
0x18: {  	s24 =	sor.u32 $0x10, s6;
	s6 =	sadd.s32 s0, s6;
	[dreg:$0xf] =	wrdreg s26  }
0x19: {  	s29 =	sshrl.u32 s18, $0x5;
	s15 =	sadd.s32 s15, s24;
	[dreg:$0x11] =	wrdreg s6  }
0x1a: {  	s8 =	simm.s32 $0x16800;
	s0 =	sadd.s32 s0, s24;
	[dreg:$0x10] =	wrdreg s15  }
0x1b: {  	s26 =	sadd.s32 s1, s17;
	s17 =	sadd.s32 $0xCB200, s3;
	[dreg:$0x12] =	wrdreg s0  }
0x1c: {  	s18 =	simm.s32 $0x2;
	s3 =	sadd.s32 $0xD1600, s3;
	[dreg:$0x16] =	wrdreg s17  }
0x1d: {  	s19 =	simm.s32 $0x3;
	s20 =	simm.s32 $0xC800;
	[dreg:$0x18] =	wrdreg s3  }
0x1e: {  	s16 =	simm.s32 $0x1A400;
	s0 =	sshrl.u32 s21, $0x3;
	[dreg:$0x13] =	wrdreg s26  }
0x1f: {  	s24 =	sadd.s32 s1, s10;
	s21 =	sshrl.u32 s22, $0x3;
	[dreg:$0x1a] =	wrdreg s0  }
0x20: {  	s1 =	sadd.s32 s1, s11;
	s22 =	sshrl.u32 s24, $0x3;
	[dreg:$0x1b] =	wrdreg s21  }
0x21: {  	s6 =	simm.s32 $0x17C00;
	s24 =	sshrl.u32 s1, $0x3;
	[dreg:$0x1c] =	wrdreg s22  }
0x22: {  	s17 =	simm.s32 $0x1;
	s15 =	simm.s32 $0x19000;
	[dreg:$0x1d] =	wrdreg s24  }
0x23: {  	v0 =	vimm.f32 $0.0e+00;
	s24 =	simm.s32 $0xDC00;
	s21 =	simm.s32 $0x1B800;
	s22 =	simm.s32 $0x1CC00  }
.LBB2_1:
0x24: {  	[dreg:$0xc] =	wrdreg s25;
	s0 =	simm.s32 $0x40;
	s1 =	simm.s32 $0x0  }
.LBB2_2:
0x25: {  	p0 =	sne.s32 s0, $0x63C0;
	[tilespmem:s1+$0x1E000] =	vst v0;
	s1 =	smov.u32 s0;
	s0 =	sadd.s32 $0x40, s0  }
.Ltmp0:
0x26: {  	(pc) =	sbr.rel @p0 .LBB2_2-.Ltmp0, $2  }
0x27: {  	_ =	sdelay $0x2  }
0x28: {  	s1 =	sshra.s32 s1, $0x2  }
0x29: {  	[tilespmem:s1+$0x1E000] =	vst v0;
	s3 =	simm.s32 $0x1E000  }
0x2a: {  	[spmem:s4] =	stream.linear.scatter [tilespmem:s3], [sflag:$0x3], $0x1900, $0x38;
	[tilespmem:$0x1F900] =	vst v63  }
0x2b: {  	_ =	swait.ge [sflag:s19], $0x1900  }
0x2c: {  	[sflag:s19] =	ssyncset.done $0x0  }
0x2d: {  	[sflag:s19] =	ssyncadd.s32 $0xFFFFE700  }
0x2e: {  	[spmem:s5] =	stream.linear.scatter [tilespmem:s3], [sflag:$0x3], $0x1900, $0x38;
	[tilespmem:$0x1F900] =	vst v63  }
0x2f: {  	_ =	swait.ge [sflag:s19], $0x1900  }
0x30: {  	[sflag:s19] =	ssyncset.done $0x0  }
0x31: {  	[sflag:s19] =	ssyncadd.s32 $0xFFFFE700  }
0x32: {  	[spmem:s26] =	stream.linear.scatter [tilespmem:s3], [sflag:$0x3], $0x1900, $0x38;
	[tilespmem:$0x1F900] =	vst v63  }
0x33: {  	_ =	swait.ge [sflag:s19], $0x1900  }
0x34: {  	[sflag:s19] =	ssyncset.done $0x0  }
0x35: {  	s0 =	rddreg [dreg:$0x14];
	[sflag:s19] =	ssyncadd.s32 $0xFFFFE700  }
0x36: {  	[spmem:s0] =	stream.linear.scatter [tilespmem:s3], [sflag:$0x3], $0x1900, $0x38;
	[tilespmem:$0x1F900] =	vst v63  }
0x37: {  	s12 =	stileid.u32;
	_ =	swait.ge [sflag:s19], $0x1900  }
0x38: {  	s0 =	sshll.u32 s12, $0x6;
	[sflag:s19] =	ssyncset.done $0x0;
	s25 =	rddreg [dreg:$0x15]  }
0x39: {  	s2 =	sor.u32 $0x1C03, s0;
	s26 =	rddreg [dreg:$0x1a];
	[sflag:s19] =	ssyncadd.s32 $0xFFFFE700  }
0x3a: {  	[spmem:s26], [sflag:s2] =	dma.local [hbm:s25], $0x320  }
0x3b: {  	_ =	swait.ge [sflag:s19], $0x320  }
0x3c: {  	[sflag:s19] =	ssyncset.done $0x0;
	s3 =	rddreg [dreg:$0x16]  }
0x3d: {  	s4 =	rddreg [dreg:$0x1b];
	[sflag:s19] =	ssyncadd.s32 $0xFFFFFCE0  }
0x3e: {  	[spmem:s4], [sflag:s2] =	dma.local [hbm:s3], $0x320  }
0x3f: {  	_ =	swait.ge [sflag:s19], $0x320  }
0x40: {  	[sflag:s19] =	ssyncset.done $0x0;
	s5 =	rddreg [dreg:$0x17]  }
0x41: {  	s12 =	rddreg [dreg:$0x1c];
	[sflag:s19] =	ssyncadd.s32 $0xFFFFFCE0  }
0x42: {  	[spmem:s12], [sflag:s2] =	dma.local [hbm:s5], $0x320  }
0x43: {  	_ =	swait.ge [sflag:s19], $0x320;
	[dreg:$0x1e] =	wrdreg s2  }
0x44: {  	[sflag:s19] =	ssyncset.done $0x0;
	s25 =	rddreg [dreg:$0x18]  }
0x45: {  	s26 =	rddreg [dreg:$0x1d];
	[sflag:s19] =	ssyncadd.s32 $0xFFFFFCE0  }
0x46: {  	[spmem:s26], [sflag:s2] =	dma.local [hbm:s25], $0x320  }
0x47: {  	_ =	swait.ge [sflag:s19], $0x320  }
0x48: {  	[sflag:s19] =	ssyncset.done $0x0  }
0x49: {  	[sflag:s19] =	ssyncadd.s32 $0xFFFFFCE0  }
0x4a: {  	s0 =	simm.s32 $0x0;
	s12 =	simm.s32 $0x0;
	[bflag:$0x0] =	sbarrier.arrive $0xFFFF  }
.LBB2_4:
0x4b: {  	s1 =	sshll.u32 s0, $0x5  }
0x4c: {  	s1 =	sor.u32 s23, s1  }
0x4d: {  	s2 =	smul.u32 $0x1400, s1;
	_ =	sdelay $0x1  }
0x4e: {  	s2 =	sshrl.u32 s2, $0x3  }
0x4f: {  	s3 =	sadd.s32 s13, s2  }
0x50: {  	[tilespmem:s20], [sflag:$0x3] =	stream.linear.gather [hbm4b:s3+s12], $0x1400, $0x38;
	[tilespmem:$0x1F900] =	vst v63  }
0x51: {  	_ =	swait.ge [sflag:s19], $0x1400  }
0x52: {  	[sflag:s19] =	ssyncset.done $0x0  }
0x53: {  	s2 =	sadd.s32 s14, s2;
	[sflag:s19] =	ssyncadd.s32 $0xFFFFEC00  }
0x54: {  	[tilespmem:s24], [sflag:$0x3] =	stream.linear.gather [hbm4b:s2+s12], $0x1400, $0x38;
	[tilespmem:$0x1F900] =	vst v63  }
0x55: {  	_ =	swait.ge [sflag:s19], $0x1400  }
0x56: {  	s1 =	smul.u32 $0x2800, s1;
	[sflag:s19] =	ssyncset.done $0x0  }
0x57: {  	[sflag:s19] =	ssyncadd.s32 $0xFFFFEC00  }
0x58: {  	s1 =	sshrl.u32 s1, $0x3;
	s25 =	rddreg [dreg:$0x1]  }
0x59: {  	s26 =	simm.s32 $0xF000;
	s2 =	sadd.s32 s25, s1  }
0x5a: {  	[tilespmem:s26], [sflag:$0x3] =	stream.linear.gather [hbm4b:s2+s12], $0x2800, $0x38;
	[tilespmem:$0x1F900] =	vst v63  }
0x5b: {  	_ =	swait.ge [sflag:s19], $0x2800  }
0x5c: {  	[sflag:s19] =	ssyncset.done $0x0  }
0x5d: {  	[sflag:s19] =	ssyncadd.s32 $0xFFFFD800  }
0x5e: {  	s4 =	rddreg [dreg:$0x2]  }
0x5f: {  	s5 =	simm.s32 $0x11800;
	s1 =	sadd.s32 s4, s1  }
0x60: {  	[tilespmem:s5], [sflag:$0x3] =	stream.linear.gather [hbm4b:s1+s12], $0x2800, $0x38;
	[tilespmem:$0x1F900] =	vst v63  }
0x61: {  	_ =	swait.ge [sflag:s19], $0x2800  }
0x62: {  	[sflag:s19] =	ssyncset.done $0x0  }
0x63: {  	[sflag:s19] =	ssyncadd.s32 $0xFFFFD800  }
0x64: {  	[tilespmem:s30], [sflag:$0x1] =	stream.indirect.gather [spmem:s7], $0x1, s20, s28, $0xb8;
	[tilespmem:$0x1F900] =	vst v63  }
0x65: {  	_ = 	snop  }
0x66: {  	[tilespmem:s31], [sflag:$0x1] =	stream.indirect.gather [spmem:s7], $0x1, s24, s28, $0xb8;
	[tilespmem:$0x1F900] =	vst v63  }
0x67: {  	_ = 	snop  }
0x68: {  	[tilespmem:s8], [sflag:$0x1] =	stream.indirect.gather [spmem:s10], $0x1, s20, s28, $0xb8;
	[tilespmem:$0x1F900] =	vst v63  }
0x69: {  	_ = 	snop  }
0x6a: {  	[tilespmem:s6], [sflag:$0x1] =	stream.indirect.gather [spmem:s10], $0x1, s24, s28, $0xb8;
	[tilespmem:$0x1F900] =	vst v63  }
0x6b: {  	_ =	swait.ge [sflag:s17], $0x1400  }
0x6c: {  	[sflag:s17] =	ssyncset.done $0x0  }
0x6d: {  	[sflag:s17] =	ssyncadd.s32 $0xFFFFEC00  }
0x6e: {  	_ =	swait.ge [sflag:s17], $0x1400  }
0x6f: {  	[sflag:s17] =	ssyncset.done $0x0  }
0x70: {  	[sflag:s17] =	ssyncadd.s32 $0xFFFFEC00  }
0x71: {  	_ =	swait.ge [sflag:s17], $0x1400  }
0x72: {  	[sflag:s17] =	ssyncset.done $0x0  }
0x73: {  	[sflag:s17] =	ssyncadd.s32 $0xFFFFEC00  }
0x74: {  	_ =	swait.ge [sflag:s17], $0x1400  }
0x75: {  	[sflag:s17] =	ssyncset.done $0x0  }
0x76: {  	s1 =	simm.s32 $0x0;
	[sflag:s17] =	ssyncadd.s32 $0xFFFFEC00  }
0x77: {  	v1 =	vld [tilespmem:s1+$0x14000]  }
0x78: {  	v2 =	vld [tilespmem:s1+$0x15400]  }
0x79: {  	v3 =	vld [tilespmem:s1+$0x16800]  }
0x7a: {  	v4 =	vld [tilespmem:s1+$0x17C00];
	_ =	sdelay $0x1  }
0x7b: {  	s25 =	sand.u32 $0x70, s12;
	s26 =	sand.u32 $0x3F00, s12  }
0x7c: {  	s2 =	sor.u32 s25, s26  }
0x7d: {  	v5 =	vld [tilespmem:s2+$0xF000]  }
0x7e: {  	v8 =	vld [tilespmem:s2+$0x11800];
	v6 =	vmul.f32 v2, v1;
	v7 =	vmul.f32 v4, v3  }
0x7f: {  	v2 =	vmul.f32 v3, v2;
	v1 =	vmul.f32 v4, v1;
	_ =	sdelay $0x1  }
0x80: {  	v3 =	vadd.f32 v7, v6;
	v4 =	vsub.f32 v2, v1;
	_ =	sdelay $0x1  }
0x81: {  	s25 =	simm.s32 $0x10;
	v6 =	vmul.f32 v4, v5;
	v7 =	vmul.f32 v3, v8  }
0x82: {  	v1 =	vld [tilespmem:s25+$0x14000];
	v5 =	vmul.f32 v3, v5;
	v8 =	vmul.f32 v4, v8  }
0x83: {  	v2 =	vld [tilespmem:s25+$0x15400];
	v7 =	vsub.f32 v6, v7  }
0x84: {  	v3 =	vld [tilespmem:s25+$0x16800];
	v6 =	vadd.f32 v8, v5  }
0x85: {  	s3 =	simm.s32 $0x80;
	s26 =	simm.s32 $0x0;
	s2 =	simm.s32 $0x0;
	v4 =	vld [tilespmem:s25+$0x17C00];
	[tilespmem:s1+$0x1B800] =	vst v7;
	v5 =	vsub.f32 $0.0e+00, v7  }
.LBB2_5:
0x86: {  	p0 =	sne.s32 s3, $0x4FC0;
	[tilespmem:s1+$0x19000] =	vst v6;
	v6 =	vsub.f32 $0.0e+00, v6;
	s26 =	sadd.s32 $0x20, s26;
	s2 =	sadd.s32 $0x10, s2  }
0x87: {  	s4 =	sand.u32 $0x70, s2;
	s5 =	sand.u32 $0x3F00, s26;
	[tilespmem:s1+$0x1CC00] =	vst v5  }
0x88: {  	s4 =	sor.u32 s4, s5;
	[tilespmem:s1+$0x1A400] =	vst v6;
	s1 =	smov.u32 s25  }
0x89: {  	v5 =	vld [tilespmem:s4+$0xF000]  }
0x8a: {  	v6 =	vmul.f32 v2, v1;
	v7 =	vmul.f32 v4, v3;
	v8 =	vld [tilespmem:s4+$0x11800]  }
0x8b: {  	v2 =	vmul.f32 v3, v2;
	v1 =	vmul.f32 v4, v1  }
0x8c: {  	v3 =	vadd.f32 v7, v6  }
0x8d: {  	v2 =	vsub.f32 v2, v1  }
0x8e: {  	v4 =	vmul.f32 v3, v5  }
.Ltmp1:
0x8f: {  	s25 =	sshra.s32 s3, $0x2;
	v5 =	vmul.f32 v2, v5;
	v3 =	vmul.f32 v3, v8;
	(pc) =	sbr.rel @p0 .LBB2_5-.Ltmp1, $4  }
0x90: {  	v6 =	vmul.f32 v2, v8;
	v1 =	vld [tilespmem:s25+$0x14000]  }
0x91: {  	v2 =	vld [tilespmem:s25+$0x15400];
	v5 =	vsub.f32 v5, v3  }
0x92: {  	v6 =	vadd.f32 v6, v4;
	v3 =	vld [tilespmem:s25+$0x16800]  }
0x93: {  	s3 =	sadd.s32 $0x40, s3;
	v4 =	vld [tilespmem:s25+$0x17C00];
	[tilespmem:s1+$0x1B800] =	vst v5;
	v5 =	vsub.f32 $0.0e+00, v5  }
0x94: {  	[tilespmem:s1+$0x19000] =	vst v6;
	v6 =	vsub.f32 $0.0e+00, v6;
	s3 =	sadd.s32 $0x20, s26;
	s2 =	sadd.s32 $0x10, s2  }
0x95: {  	s2 =	sand.u32 $0x70, s2;
	s3 =	sand.u32 $0x3F00, s3;
	[tilespmem:s1+$0x1CC00] =	vst v5  }
0x96: {  	s2 =	sor.u32 s2, s3;
	[tilespmem:s1+$0x1A400] =	vst v6  }
0x97: {  	v5 =	vld [tilespmem:s2+$0xF000]  }
0x98: {  	v6 =	vmul.f32 v2, v1;
	v8 =	vld [tilespmem:s2+$0x11800];
	v2 =	vmul.f32 v3, v2  }
0x99: {  	v7 =	vmul.f32 v4, v3;
	v1 =	vmul.f32 v4, v1;
	_ =	sdelay $0x1  }
0x9a: {  	v3 =	vadd.f32 v7, v6;
	v1 =	vsub.f32 v2, v1;
	_ =	sdelay $0x1  }
0x9b: {  	v2 =	vmul.f32 v1, v5;
	v4 =	vmul.f32 v3, v8  }
0x9c: {  	v3 =	vmul.f32 v3, v5;
	v1 =	vmul.f32 v1, v8  }
0x9d: {  	v2 =	vsub.f32 v2, v4  }
0x9e: {  	v1 =	vadd.f32 v1, v3  }
0x9f: {  	[tilespmem:s25+$0x1B800] =	vst v2;
	v2 =	vsub.f32 $0.0e+00, v2  }
0xa0: {  	[tilespmem:s25+$0x19000] =	vst v1;
	v1 =	vsub.f32 $0.0e+00, v1  }
0xa1: {  	[tilespmem:s25+$0x1CC00] =	vst v2  }
0xa2: {  	s3 =	rddreg [dreg:$0x3];
	[tilespmem:s25+$0x1A400] =	vst v1  }
0xa3: {  	[spmem:s3] =	stream.indirect.scatter.add.f32 [tilespmem:s15], [sflag:$0x2], $0x1, s20, s28, $0xb8;
	[tilespmem:$0x1F900] =	vst v63  }
0xa4: {  	_ = 	snop  }
0xa5: {  	[spmem:s3] =	stream.indirect.scatter.add.f32 [tilespmem:s16], [sflag:$0x2], $0x1, s24, s28, $0xb8;
	[tilespmem:$0x1F900] =	vst v63  }
0xa6: {  	s4 =	rddreg [dreg:$0x5]  }
0xa7: {  	[spmem:s4] =	stream.indirect.scatter.add.f32 [tilespmem:s21], [sflag:$0x2], $0x1, s20, s28, $0xb8;
	[tilespmem:$0x1F900] =	vst v63  }
0xa8: {  	_ = 	snop  }
0xa9: {  	[spmem:s4] =	stream.indirect.scatter.add.f32 [tilespmem:s22], [sflag:$0x2], $0x1, s24, s28, $0xb8;
	[tilespmem:$0x1F900] =	vst v63  }
0xaa: {  	_ = 	snop  }
0xab: {  	[tilespmem:s30], [sflag:$0x1] =	stream.indirect.gather [spmem:s9], $0x1, s20, s28, $0xb8;
	[tilespmem:$0x1F900] =	vst v63  }
0xac: {  	_ = 	snop  }
0xad: {  	[tilespmem:s31], [sflag:$0x1] =	stream.indirect.gather [spmem:s9], $0x1, s24, s28, $0xb8;
	[tilespmem:$0x1F900] =	vst v63  }
0xae: {  	_ = 	snop  }
0xaf: {  	[tilespmem:s8], [sflag:$0x1] =	stream.indirect.gather [spmem:s11], $0x1, s20, s28, $0xb8;
	[tilespmem:$0x1F900] =	vst v63  }
0xb0: {  	_ = 	snop  }
0xb1: {  	[tilespmem:s6], [sflag:$0x1] =	stream.indirect.gather [spmem:s11], $0x1, s24, s28, $0xb8;
	[tilespmem:$0x1F900] =	vst v63  }
0xb2: {  	_ =	swait.ge [sflag:s17], $0x1400  }
0xb3: {  	[sflag:s17] =	ssyncset.done $0x0  }
0xb4: {  	[sflag:s17] =	ssyncadd.s32 $0xFFFFEC00  }
0xb5: {  	_ =	swait.ge [sflag:s17], $0x1400  }
0xb6: {  	[sflag:s17] =	ssyncset.done $0x0  }
0xb7: {  	[sflag:s17] =	ssyncadd.s32 $0xFFFFEC00  }
0xb8: {  	_ =	swait.ge [sflag:s17], $0x1400  }
0xb9: {  	[sflag:s17] =	ssyncset.done $0x0  }
0xba: {  	[sflag:s17] =	ssyncadd.s32 $0xFFFFEC00  }
0xbb: {  	_ =	swait.ge [sflag:s17], $0x1400  }
0xbc: {  	[sflag:s17] =	ssyncset.done $0x0  }
0xbd: {  	[sflag:s17] =	ssyncadd.s32 $0xFFFFEC00  }
0xbe: {  	_ =	swait.ge [sflag:s18], $0x1400  }
0xbf: {  	[sflag:s18] =	ssyncset.done $0x0  }
0xc0: {  	[sflag:s18] =	ssyncadd.s32 $0xFFFFEC00  }
0xc1: {  	_ =	swait.ge [sflag:s18], $0x1400  }
0xc2: {  	[sflag:s18] =	ssyncset.done $0x0  }
0xc3: {  	[sflag:s18] =	ssyncadd.s32 $0xFFFFEC00  }
0xc4: {  	_ =	swait.ge [sflag:s18], $0x1400  }
0xc5: {  	[sflag:s18] =	ssyncset.done $0x0  }
0xc6: {  	[sflag:s18] =	ssyncadd.s32 $0xFFFFEC00  }
0xc7: {  	_ =	swait.ge [sflag:s18], $0x1400  }
0xc8: {  	[sflag:s18] =	ssyncset.done $0x0  }
0xc9: {  	s1 =	simm.s32 $0x0;
	[sflag:s18] =	ssyncadd.s32 $0xFFFFEC00  }
0xca: {  	v1 =	vld [tilespmem:s1+$0x14000]  }
0xcb: {  	v2 =	vld [tilespmem:s1+$0x15400]  }
0xcc: {  	v3 =	vld [tilespmem:s1+$0x16800]  }
0xcd: {  	v4 =	vld [tilespmem:s1+$0x17C00]  }
0xce: {  	s25 =	simm.s32 $0x0  }
0xcf: {  	s5 =	sand.u32 $0x70, s25;
	s26 =	sand.u32 $0x3F00, s25  }
0xd0: {  	s2 =	sor.u32 s5, s26  }
0xd1: {  	v5 =	vld [tilespmem:s2+$0xF080]  }
0xd2: {  	v8 =	vld [tilespmem:s2+$0x11880];
	v6 =	vmul.f32 v2, v1;
	v7 =	vmul.f32 v4, v3  }
0xd3: {  	v2 =	vmul.f32 v3, v2;
	v1 =	vmul.f32 v4, v1;
	_ =	sdelay $0x1  }
0xd4: {  	v3 =	vadd.f32 v7, v6;
	v4 =	vsub.f32 v2, v1;
	_ =	sdelay $0x1  }
0xd5: {  	s26 =	simm.s32 $0x10;
	v6 =	vmul.f32 v4, v5;
	v7 =	vmul.f32 v3, v8  }
0xd6: {  	v1 =	vld [tilespmem:s26+$0x14000];
	v5 =	vmul.f32 v3, v5;
	v8 =	vmul.f32 v4, v8  }
0xd7: {  	v2 =	vld [tilespmem:s26+$0x15400];
	v7 =	vsub.f32 v6, v7  }
0xd8: {  	v3 =	vld [tilespmem:s26+$0x16800];
	v6 =	vadd.f32 v8, v5  }
0xd9: {  	s3 =	simm.s32 $0x80;
	s2 =	simm.s32 $0x0;
	v4 =	vld [tilespmem:s26+$0x17C00];
	[tilespmem:s1+$0x1B800] =	vst v7;
	v5 =	vsub.f32 $0.0e+00, v7  }
.LBB2_7:
0xda: {  	p0 =	sne.s32 s3, $0x4FC0;
	[tilespmem:s1+$0x19000] =	vst v6;
	v6 =	vsub.f32 $0.0e+00, v6;
	s25 =	sadd.s32 $0x20, s25;
	s2 =	sadd.s32 $0x10, s2  }
0xdb: {  	s4 =	sand.u32 $0x70, s2;
	s5 =	sand.u32 $0x3F00, s25;
	[tilespmem:s1+$0x1CC00] =	vst v5  }
0xdc: {  	s4 =	sor.u32 s4, s5;
	[tilespmem:s1+$0x1A400] =	vst v6;
	s1 =	smov.u32 s26  }
0xdd: {  	v5 =	vld [tilespmem:s4+$0xF080]  }
0xde: {  	v6 =	vmul.f32 v2, v1;
	v7 =	vmul.f32 v4, v3;
	v8 =	vld [tilespmem:s4+$0x11880]  }
0xdf: {  	v2 =	vmul.f32 v3, v2;
	v1 =	vmul.f32 v4, v1  }
0xe0: {  	v3 =	vadd.f32 v7, v6  }
0xe1: {  	v2 =	vsub.f32 v2, v1  }
0xe2: {  	v4 =	vmul.f32 v3, v5  }
.Ltmp2:
0xe3: {  	s26 =	sshra.s32 s3, $0x2;
	v5 =	vmul.f32 v2, v5;
	v3 =	vmul.f32 v3, v8;
	(pc) =	sbr.rel @p0 .LBB2_7-.Ltmp2, $4  }
0xe4: {  	v6 =	vmul.f32 v2, v8;
	v1 =	vld [tilespmem:s26+$0x14000]  }
0xe5: {  	v2 =	vld [tilespmem:s26+$0x15400];
	v5 =	vsub.f32 v5, v3  }
0xe6: {  	v6 =	vadd.f32 v6, v4;
	v3 =	vld [tilespmem:s26+$0x16800]  }
0xe7: {  	s3 =	sadd.s32 $0x40, s3;
	v4 =	vld [tilespmem:s26+$0x17C00];
	[tilespmem:s1+$0x1B800] =	vst v5;
	v5 =	vsub.f32 $0.0e+00, v5  }
0xe8: {  	[tilespmem:s1+$0x19000] =	vst v6;
	v61 =	vsub.f32 $0.0e+00, v6;
	s3 =	sadd.s32 $0x20, s25;
	s2 =	sadd.s32 $0x10, s2  }
0xe9: {  	s2 =	sand.u32 $0x70, s2;
	s3 =	sand.u32 $0x3F00, s3;
	[tilespmem:s1+$0x1CC00] =	vst v5  }
0xea: {  	s2 =	sor.u32 s2, s3;
	[tilespmem:s1+$0x1A400] =	vst v61  }
0xeb: {  	v5 =	vld [tilespmem:s2+$0xF080]  }
0xec: {  	v62 =	vmul.f32 v2, v1;
	v8 =	vld [tilespmem:s2+$0x11880];
	v2 =	vmul.f32 v3, v2  }
0xed: {  	v7 =	vmul.f32 v4, v3;
	v1 =	vmul.f32 v4, v1;
	_ =	sdelay $0x1  }
0xee: {  	v3 =	vadd.f32 v7, v62;
	v1 =	vsub.f32 v2, v1;
	_ =	sdelay $0x1  }
0xef: {  	v2 =	vmul.f32 v1, v5;
	v63 =	vmul.f32 v3, v8  }
0xf0: {  	v3 =	vmul.f32 v3, v5;
	v1 =	vmul.f32 v1, v8  }
0xf1: {  	v2 =	vsub.f32 v2, v63  }
0xf2: {  	v1 =	vadd.f32 v1, v3  }
0xf3: {  	[tilespmem:s26+$0x1B800] =	vst v2;
	v2 =	vsub.f32 $0.0e+00, v2  }
0xf4: {  	[tilespmem:s26+$0x19000] =	vst v1;
	v1 =	vsub.f32 $0.0e+00, v1  }
0xf5: {  	[tilespmem:s26+$0x1CC00] =	vst v2  }
0xf6: {  	s25 =	rddreg [dreg:$0x4];
	[tilespmem:s26+$0x1A400] =	vst v1  }
0xf7: {  	[spmem:s25] =	stream.indirect.scatter.add.f32 [tilespmem:s15], [sflag:$0x2], $0x1, s20, s28, $0xb8;
	[tilespmem:$0x1F900] =	vst v63  }
0xf8: {  	_ = 	snop  }
0xf9: {  	[spmem:s25] =	stream.indirect.scatter.add.f32 [tilespmem:s16], [sflag:$0x2], $0x1, s24, s28, $0xb8;
	[tilespmem:$0x1F900] =	vst v63  }
0xfa: {  	s26 =	rddreg [dreg:$0x6]  }
0xfb: {  	[spmem:s26] =	stream.indirect.scatter.add.f32 [tilespmem:s21], [sflag:$0x2], $0x1, s20, s28, $0xb8;
	[tilespmem:$0x1F900] =	vst v63  }
0xfc: {  	_ = 	snop  }
0xfd: {  	[spmem:s26] =	stream.indirect.scatter.add.f32 [tilespmem:s22], [sflag:$0x2], $0x1, s24, s28, $0xb8;
	[tilespmem:$0x1F900] =	vst v63  }
0xfe: {  	_ =	swait.ge [sflag:s18], $0x1400  }
0xff: {  	[sflag:s18] =	ssyncset.done $0x0  }
0x100: {  	[sflag:s18] =	ssyncadd.s32 $0xFFFFEC00  }
0x101: {  	_ =	swait.ge [sflag:s18], $0x1400  }
0x102: {  	[sflag:s18] =	ssyncset.done $0x0  }
0x103: {  	s0 =	sadd.s32 $0x1, s0;
	[sflag:s18] =	ssyncadd.s32 $0xFFFFEC00  }
0x104: {  	p0 =	sne.s32 s0, s29;
	_ =	swait.ge [sflag:s18], $0x1400  }
.Ltmp3:
0x105: {  	[sflag:s18] =	ssyncset.done $0x0;
	(pc) =	sbr.rel @p0 .LBB2_4-.Ltmp3, $4  }
0x106: {  	[sflag:s18] =	ssyncadd.s32 $0xFFFFEC00  }
0x107: {  	_ =	swait.ge [sflag:s18], $0x1400  }
0x108: {  	[sflag:s18] =	ssyncset.done $0x0  }
0x109: {  	[sflag:s18] =	ssyncadd.s32 $0xFFFFEC00  }
0x10a: {  	[bflag:$0x0] =	sbarrier.arrive $0xFFFF  }
0x10b: {  	s4 =	rddreg [dreg:$0xd]  }
0x10c: {  	s2 =	simm.s32 $0x20;
	s1 =	rddreg [dreg:$0xf]  }
0x10d: {  	s3 =	simm.s32 $0x10;
	s12 =	rddreg [dreg:$0x1e];
	s0 =	sshrl.u32 s4, $0x3  }
0x10e: {  	[hbm:s1@s2], [sflag:s12] =	dma.strided [spmem:s0@s3], $0x320, s17, $0x10   }
0x10f: {  	_ =	swait.ge [sflag:s19], $0x320  }
0x110: {  	[sflag:s19] =	ssyncset.done $0x0;
	s5 =	rddreg [dreg:$0xe]  }
0x111: {  	s26 =	rddreg [dreg:$0x10];
	[sflag:s19] =	ssyncadd.s32 $0xFFFFFCE0;
	s25 =	sshrl.u32 s5, $0x3  }
0x112: {  	[hbm:s26@s2], [sflag:s12] =	dma.strided [spmem:s25@s3], $0x320, s17, $0x10   }
0x113: {  	_ =	swait.ge [sflag:s19], $0x320  }
0x114: {  	[sflag:s19] =	ssyncset.done $0x0;
	s26 =	rddreg [dreg:$0x13]  }
0x115: {  	s25 =	rddreg [dreg:$0x11];
	[sflag:s19] =	ssyncadd.s32 $0xFFFFFCE0;
	s1 =	sshrl.u32 s26, $0x3  }
0x116: {  	[hbm:s25@s2], [sflag:s12] =	dma.strided [spmem:s1@s3], $0x320, s17, $0x10   }
0x117: {  	_ =	swait.ge [sflag:s19], $0x320  }
0x118: {  	[sflag:s19] =	ssyncset.done $0x0;
	s1 =	rddreg [dreg:$0x14]  }
0x119: {  	s25 =	rddreg [dreg:$0x12];
	[sflag:s19] =	ssyncadd.s32 $0xFFFFFCE0;
	s0 =	sshrl.u32 s1, $0x3  }
0x11a: {  	[hbm:s25@s2], [sflag:s12] =	dma.strided [spmem:s0@s3], $0x320, s17, $0x10   }
0x11b: {  	_ =	swait.ge [sflag:s19], $0x320  }
0x11c: {  	s25 =	rddreg [dreg:$0xc]  }
0x11d: {  	s12 =	rddreg [dreg:$0x19];
	s25 =	sadd.s32 $0x1, s25  }
0x11e: {  	p0 =	sne.s32 s25, s12  }
.Ltmp4:
0x11f: {  	_ = 	snop;
	(pc) =	sbr.rel @p0 .LBB2_1-.Ltmp4, $3  }
0x120: {  	_ =	sdelay $0x1  }
0x121: {  	[sflag:s19] =	ssyncset.done $0x0  }
0x122: {  	[sflag:s19] =	ssyncadd.s32 $0xFFFFFCE0  }
0x123: {  	_ =	sfence.sel $0x180000  }
0x124: {  	[bflag:$0x0] =	sbarrier.arrive $0xFFFF  }
0x125: {  	_ =	strace $0x90000047  }
0x126: {  	s0 =	stileid.u32;
	[bflag:$0x2] =	sbarrier.arrive $0xFFFF  }
0x127: {  	p0 =	sne.s32 s0, $0x0;
	s0 =	rddreg [dreg:$0xb]  }
0x128: {  	s0 =	sadd.s32 @!p0 $0x100000, s0  }
0x129: {  	[sflag:s0] =	ssyncadd.tile.s32 @!p0 $0x1;
	_ =	shalt  }
.Lfunc_end2:
_tile_overlayer_lowered:
.L_overlay_start_2:
0x12a: {  	(tag) =	ssettag $0x2  }
0x12b: {  	s0 =	rddreg [dreg:$0x0];
	s2 =	stileid.u32  }
0x12c: {  	s1 =	rddreg [dreg:$0x1];
	p0 =	sne.s32 s2, $0x0  }
0x12d: {  	s3 =	rddreg [dreg:$0x2];
	[bflag:$0x3] =	sbarrier.arrive $0xFFFF;
	s2 =	simm.s32 @!p0 $0x1C03  }
0x12e: {  	[timem:s3], [sflag:s2] =	dma.local @!p0 [hbm:s0], s1  }
0x12f: {  	s0 =	simm.s32 @!p0 $0x3  }
0x130: {  	_ =	swait.ge @!p0 [sflag:s0], s1  }
0x131: {  	s1 =	ssub.s32 @!p0 $0x0, s1;
	[sflag:s0] =	ssyncset.done @!p0 $0x0  }
0x132: {  	[sflag:s0] =	ssyncadd.s32 @!p0 s1  }
0x133: {  	[bflag:$0x3] =	sbarrier.arrive $0xFFFF  }
0x134: {  	_ =	shalt  }

</sc_bundles>
